<compile_context>
chip_gen: v7x
topology: tpu7x:2x2x1
jax: 0.10.2.dev20260603
libtpu: 0.0.44.dev20260713+nightly
codegen_flags: <defaults>
</compile_context>

<pallas_src>
import functools

import jax
import jax.numpy as jnp
from jax import lax
from jax.experimental import pallas as pl
from jax.experimental.pallas import tpu as pltpu
from jax.experimental.pallas import tpu_sc as plsc

_info = plsc.get_sparse_core_info()
_NC, _NS = _info.num_cores, _info.num_subcores
_NW = _NC * _NS

_CHUNK = 80
_NBUF = 5


@functools.lru_cache(maxsize=None)
def _make_gather(n, d, dtype_name):
    dtype = jnp.dtype(dtype_name)
    assert n % (_NW * _CHUNK) == 0
    rows_per_w = n // _NW
    n_chunks = rows_per_w // _CHUNK
    assert n_chunks % _NBUF == 0 and rows_per_w % 8 == 0
    n_grp = n_chunks // _NBUF

    mesh = plsc.VectorSubcoreMesh(core_axis_name="c", subcore_axis_name="s")

    row_buf = pltpu.VMEM((_CHUNK, d), dtype)

    @functools.partial(
        pl.kernel,
        mesh=mesh,
        out_type=jax.ShapeDtypeStruct((n, d), dtype),
        scratch_types=(
            [pltpu.VMEM((rows_per_w,), jnp.int32)]
            + [row_buf] * _NBUF
            + [pltpu.SemaphoreType.DMA] * _NBUF
            + [pltpu.SemaphoreType.DMA] * _NBUF
        ),
    )
    def gather_kernel(idx_hbm, table_hbm, out_hbm, idx_v, *bufs_and_sems):
        rows = bufs_and_sems[:_NBUF]
        gsem = bufs_and_sems[_NBUF:2 * _NBUF]
        osem = bufs_and_sems[2 * _NBUF:]
        wid = lax.axis_index("s") * _NC + lax.axis_index("c")
        base = wid * rows_per_w

        pltpu.sync_copy(idx_hbm.at[pl.ds(base, rows_per_w)], idx_v)

        def fire_gather(j, b):
            pltpu.async_copy(
                table_hbm.at[idx_v.at[pl.ds(j * _CHUNK, _CHUNK)]],
                rows[b], gsem[b])

        def fire_write(j, b):
            pltpu.async_copy(
                rows[b], out_hbm.at[pl.ds(base + j * _CHUNK, _CHUNK)], osem[b])

        def wait_gather(b):
            pltpu.make_async_copy(
                table_hbm.at[pl.ds(0, _CHUNK)], rows[b], gsem[b]).wait()

        def wait_write(b):
            pltpu.make_async_copy(
                rows[b], out_hbm.at[pl.ds(base, _CHUNK)], osem[b]).wait()

        for b in range(_NBUF):
            fire_gather(b, b)

        def body(g, carry):
            j0 = g * _NBUF
            for b in range(_NBUF):
                wait_gather(b)
                fire_write(j0 + b, b)
            for b in range(_NBUF):
                wait_write(b)
                fire_gather(j0 + _NBUF + b, b)
            return carry

        lax.fori_loop(0, n_grp - 1, body, 0)

        j0 = (n_grp - 1) * _NBUF
        for b in range(_NBUF):
            wait_gather(b)
            fire_write(j0 + b, b)
        for b in range(_NBUF):
            wait_write(b)

    return gather_kernel


@functools.lru_cache(maxsize=None)
def _make_relayout(b, t, tok, d, dtype_name):
    dtype = jnp.dtype(dtype_name)
    rows_per_b = t * tok

    def body(x_ref, o_ref):
        o_ref[...] = x_ref[...].reshape(o_ref.shape)

    return pl.pallas_call(
        body,
        grid=(b,),
        in_specs=[pl.BlockSpec((rows_per_b, d), lambda i: (i, 0))],
        out_specs=pl.BlockSpec((1, t, tok, d), lambda i: (i, 0, 0, 0)),
        out_shape=jax.ShapeDtypeStruct((b, t, tok, d), dtype),
    )


def kernel(idx, table):
    d = table.shape[1]
    b, t, tok = idx.shape
    idx_flat = idx.reshape(-1)
    out2d = _make_gather(idx.size, d, table.dtype.name)(idx_flat, table)
    return _make_relayout(b, t, tok, d, table.dtype.name)(out2d)

# --- scband reference (transcript-rebuilt; emitter-appended) ---
"""Pipeline reference for scband-smeembedder-27711128994511 (READ-ONLY COPY).

The authoritative reference and input builder live on the scoring server;
editing this copy changes nothing except your own understanding.
"""

import jax, jax.numpy as jnp
import numpy as np

VOCAB_SZ = 10240  # special + symbol + operator + SME tokenizer vocabs (sign/mantissa/exponent)
EMBED_DIM = 256
PAD_IDX = 0  # '<pad>' is the first special vocab


def setup_inputs(seed: int = 0) -> dict:
    key = jax.random.key(seed)
    k1, k2 = jax.random.split(key)
    # [B, T, 3*(MAX_XDIM+1)] flattened sign/mantissa/exponent token indices
    idx = jax.random.randint(k1, (64, 200, 21), 0, VOCAB_SZ, dtype=jnp.int32)
    table = jax.random.normal(k2, (VOCAB_SZ, EMBED_DIM), dtype=jnp.float32)
    table = table.at[PAD_IDX].set(0.0)  # padding_idx row is zeros
    return {"idx": idx, "table": table}


def reference(idx, table):
    # nn.Embedding lookup: self.embed(batch_pad) -> [B, T, 3D', embed_dim]
    return jnp.take(table, idx, axis=0)

if __name__ == "__main__":
    import jax
    _d = setup_inputs()
    print(jax.jit(kernel)(*tuple(_d.values())))

</pallas_src>

<mosaic_0001>
#map = affine_map<(d0, d1) -> (0)>
#map1 = affine_map<(d0, d1) -> (0, 0)>
module attributes {stable_mosaic.version = 14 : i64} {
  func.func @gather_kernel(%arg0: i32, %arg1: i32, %arg2: memref<268800xi32, #tpu.memory_space<hbm>>, %arg3: memref<10240x256xf32, #tpu.memory_space<hbm>>, %arg4: memref<268800x256xf32, #tpu.memory_space<hbm>>, %arg5: memref<8400xi32, #tpu.memory_space<vmem>>, %arg6: memref<80x256xf32, #tpu.memory_space<vmem>>, %arg7: memref<80x256xf32, #tpu.memory_space<vmem>>, %arg8: memref<80x256xf32, #tpu.memory_space<vmem>>, %arg9: memref<80x256xf32, #tpu.memory_space<vmem>>, %arg10: memref<80x256xf32, #tpu.memory_space<vmem>>, %arg11: memref<!tpu.dma_semaphore, #tpu.memory_space<semaphore_mem>>, %arg12: memref<!tpu.dma_semaphore, #tpu.memory_space<semaphore_mem>>, %arg13: memref<!tpu.dma_semaphore, #tpu.memory_space<semaphore_mem>>, %arg14: memref<!tpu.dma_semaphore, #tpu.memory_space<semaphore_mem>>, %arg15: memref<!tpu.dma_semaphore, #tpu.memory_space<semaphore_mem>>, %arg16: memref<!tpu.dma_semaphore, #tpu.memory_space<semaphore_mem>>, %arg17: memref<!tpu.dma_semaphore, #tpu.memory_space<semaphore_mem>>, %arg18: memref<!tpu.dma_semaphore, #tpu.memory_space<semaphore_mem>>, %arg19: memref<!tpu.dma_semaphore, #tpu.memory_space<semaphore_mem>>, %arg20: memref<!tpu.dma_semaphore, #tpu.memory_space<semaphore_mem>>) attributes {dimension_semantics = [#tpu.dimension_semantics<core_parallel>, #tpu.dimension_semantics<subcore_parallel>], iteration_bounds = array<i64: 2, 16>, scalar_prefetch = 0 : i64, scratch_operands = 16 : i64, tpu.core_type = #tpu.core_type<sc_vector_subcore>, window_params = [{transform_indices = #map}, {transform_indices = #map1}, {transform_indices = #map1}]} {
    %mul3A = arith.constant 2 : i32
    %mul3A_0 = arith.muli %arg1, %mul3A : i32
    %add3A = arith.addi %mul3A_0, %arg0 : i32
    %mul3A_1 = arith.constant 8400 : i32
    %mul3A_2 = arith.muli %add3A, %mul3A_1 : i32
    "tpu.region"() ({
      %run_scoped3A = tpu.sem_alloc : memref<!tpu.dma_semaphore, #tpu.memory_space<semaphore_mem>>
      %dma_start3A_111 = tpu.memref_slice %arg2[%mul3A_2] : memref<268800xi32, #tpu.memory_space<hbm>> -> memref<8400xi32, #tpu.memory_space<hbm>>
      %dma_start3A_112 = tpu.memref_slice %arg2[%mul3A_2] : memref<268800xi32, #tpu.memory_space<hbm>> -> memref<8400xi32, #tpu.memory_space<hbm>>
      tpu.enqueue_dma source(%dma_start3A_112 : memref<8400xi32, #tpu.memory_space<hbm>>) target(%arg5 : memref<8400xi32, #tpu.memory_space<vmem>>) target_semaphore(%run_scoped3A : memref<!tpu.dma_semaphore, #tpu.memory_space<semaphore_mem>>)
      %dma_wait3A_113 = tpu.memref_slice %arg2[%mul3A_2] : memref<268800xi32, #tpu.memory_space<hbm>> -> memref<8400xi32, #tpu.memory_space<hbm>>
      %dma_wait3A_114 = tpu.memref_slice %arg2[%mul3A_2] : memref<268800xi32, #tpu.memory_space<hbm>> -> memref<8400xi32, #tpu.memory_space<hbm>>
      tpu.wait_dma2 semaphore(%run_scoped3A : memref<!tpu.dma_semaphore, #tpu.memory_space<semaphore_mem>>) src(%dma_wait3A_114 : memref<8400xi32, #tpu.memory_space<hbm>>) dst(%arg5 : memref<8400xi32, #tpu.memory_space<vmem>>)
      tpu.yield
    }) : () -> ()
    %dma_start3A = arith.constant 0 : i32
    %dma_start3A_3 = tpu.memref_slice %arg5[%dma_start3A] : memref<8400xi32, #tpu.memory_space<vmem>> -> memref<80xi32, #tpu.memory_space<vmem>>
    %dma_start3A_4 = arith.constant 0 : i32
    %dma_start3A_5 = arith.constant 0 : i32
    %dma_start3A_6 = tpu.memref_slice %arg3[%dma_start3A_4, %dma_start3A_5] : memref<10240x256xf32, #tpu.memory_space<hbm>> -> memref<10240x256xf32, #tpu.memory_space<hbm>>
    tpu.enqueue_indirect_dma source(%dma_start3A_6 : memref<10240x256xf32, #tpu.memory_space<hbm>>) target(%arg6 : memref<80x256xf32, #tpu.memory_space<vmem>>) offsets(%dma_start3A_3 : memref<80xi32, #tpu.memory_space<vmem>>) semaphore(%arg11 : memref<!tpu.dma_semaphore, #tpu.memory_space<semaphore_mem>>)
    %dma_start3A_7 = arith.constant 80 : i32
    %dma_start3A_8 = tpu.memref_slice %arg5[%dma_start3A_7] : memref<8400xi32, #tpu.memory_space<vmem>> -> memref<80xi32, #tpu.memory_space<vmem>>
    %dma_start3A_9 = arith.constant 0 : i32
    %dma_start3A_10 = arith.constant 0 : i32
    %dma_start3A_11 = tpu.memref_slice %arg3[%dma_start3A_9, %dma_start3A_10] : memref<10240x256xf32, #tpu.memory_space<hbm>> -> memref<10240x256xf32, #tpu.memory_space<hbm>>
    tpu.enqueue_indirect_dma source(%dma_start3A_11 : memref<10240x256xf32, #tpu.memory_space<hbm>>) target(%arg7 : memref<80x256xf32, #tpu.memory_space<vmem>>) offsets(%dma_start3A_8 : memref<80xi32, #tpu.memory_space<vmem>>) semaphore(%arg12 : memref<!tpu.dma_semaphore, #tpu.memory_space<semaphore_mem>>)
    %dma_start3A_12 = arith.constant 160 : i32
    %dma_start3A_13 = tpu.memref_slice %arg5[%dma_start3A_12] : memref<8400xi32, #tpu.memory_space<vmem>> -> memref<80xi32, #tpu.memory_space<vmem>>
    %dma_start3A_14 = arith.constant 0 : i32
    %dma_start3A_15 = arith.constant 0 : i32
    %dma_start3A_16 = tpu.memref_slice %arg3[%dma_start3A_14, %dma_start3A_15] : memref<10240x256xf32, #tpu.memory_space<hbm>> -> memref<10240x256xf32, #tpu.memory_space<hbm>>
    tpu.enqueue_indirect_dma source(%dma_start3A_16 : memref<10240x256xf32, #tpu.memory_space<hbm>>) target(%arg8 : memref<80x256xf32, #tpu.memory_space<vmem>>) offsets(%dma_start3A_13 : memref<80xi32, #tpu.memory_space<vmem>>) semaphore(%arg13 : memref<!tpu.dma_semaphore, #tpu.memory_space<semaphore_mem>>)
    %dma_start3A_17 = arith.constant 240 : i32
    %dma_start3A_18 = tpu.memref_slice %arg5[%dma_start3A_17] : memref<8400xi32, #tpu.memory_space<vmem>> -> memref<80xi32, #tpu.memory_space<vmem>>
    %dma_start3A_19 = arith.constant 0 : i32
    %dma_start3A_20 = arith.constant 0 : i32
    %dma_start3A_21 = tpu.memref_slice %arg3[%dma_start3A_19, %dma_start3A_20] : memref<10240x256xf32, #tpu.memory_space<hbm>> -> memref<10240x256xf32, #tpu.memory_space<hbm>>
    tpu.enqueue_indirect_dma source(%dma_start3A_21 : memref<10240x256xf32, #tpu.memory_space<hbm>>) target(%arg9 : memref<80x256xf32, #tpu.memory_space<vmem>>) offsets(%dma_start3A_18 : memref<80xi32, #tpu.memory_space<vmem>>) semaphore(%arg14 : memref<!tpu.dma_semaphore, #tpu.memory_space<semaphore_mem>>)
    %dma_start3A_22 = arith.constant 320 : i32
    %dma_start3A_23 = tpu.memref_slice %arg5[%dma_start3A_22] : memref<8400xi32, #tpu.memory_space<vmem>> -> memref<80xi32, #tpu.memory_space<vmem>>
    %dma_start3A_24 = arith.constant 0 : i32
    %dma_start3A_25 = arith.constant 0 : i32
    %dma_start3A_26 = tpu.memref_slice %arg3[%dma_start3A_24, %dma_start3A_25] : memref<10240x256xf32, #tpu.memory_space<hbm>> -> memref<10240x256xf32, #tpu.memory_space<hbm>>
    tpu.enqueue_indirect_dma source(%dma_start3A_26 : memref<10240x256xf32, #tpu.memory_space<hbm>>) target(%arg10 : memref<80x256xf32, #tpu.memory_space<vmem>>) offsets(%dma_start3A_23 : memref<80xi32, #tpu.memory_space<vmem>>) semaphore(%arg15 : memref<!tpu.dma_semaphore, #tpu.memory_space<semaphore_mem>>)
    %scan3A = arith.constant 0 : i32
    %scan3A_27 = arith.constant 0 : i32
    %scan3A_28 = arith.constant 20 : i32
    %scan3A_29 = arith.addi %scan3A_27, %scan3A_28 : i32
    %scan3A_30 = arith.constant 1 : i32
    scf.for %scan3A_111 = %scan3A_27 to %scan3A_29 step %scan3A_30  : i32 {
      %mul3A_112 = arith.constant 5 : i32
      %mul3A_113 = arith.muli %scan3A_111, %mul3A_112 : i32
      %dma_wait3A_114 = arith.constant 0 : i32
      %dma_wait3A_115 = arith.constant 0 : i32
      %dma_wait3A_116 = tpu.memref_slice %arg3[%dma_wait3A_114, %dma_wait3A_115] : memref<10240x256xf32, #tpu.memory_space<hbm>> -> memref<80x256xf32, #tpu.memory_space<hbm>>
      %dma_wait3A_117 = arith.constant 0 : i32
      %dma_wait3A_118 = arith.constant 0 : i32
      %dma_wait3A_119 = tpu.memref_slice %arg3[%dma_wait3A_117, %dma_wait3A_118] : memref<10240x256xf32, #tpu.memory_space<hbm>> -> memref<80x256xf32, #tpu.memory_space<hbm>>
      tpu.wait_dma2 semaphore(%arg11 : memref<!tpu.dma_semaphore, #tpu.memory_space<semaphore_mem>>) src(%dma_wait3A_119 : memref<80x256xf32, #tpu.memory_space<hbm>>) dst(%arg6 : memref<80x256xf32, #tpu.memory_space<vmem>>)
      %add3A_120 = arith.constant 0 : i32
      %add3A_121 = arith.addi %mul3A_113, %add3A_120 : i32
      %mul3A_122 = arith.constant 80 : i32
      %mul3A_123 = arith.muli %add3A_121, %mul3A_122 : i32
      %add3A_124 = arith.addi %mul3A_2, %mul3A_123 : i32
      %dma_start3A_125 = arith.constant 0 : i32
      %dma_start3A_126 = tpu.memref_slice %arg4[%add3A_124, %dma_start3A_125] : memref<268800x256xf32, #tpu.memory_space<hbm>> -> memref<80x256xf32, #tpu.memory_space<hbm>>
      %dma_start3A_127 = arith.constant 0 : i32
      %dma_start3A_128 = tpu.memref_slice %arg4[%add3A_124, %dma_start3A_127] : memref<268800x256xf32, #tpu.memory_space<hbm>> -> memref<80x256xf32, #tpu.memory_space<hbm>>
      tpu.enqueue_dma source(%arg6 : memref<80x256xf32, #tpu.memory_space<vmem>>) target(%dma_start3A_128 : memref<80x256xf32, #tpu.memory_space<hbm>>) target_semaphore(%arg16 : memref<!tpu.dma_semaphore, #tpu.memory_space<semaphore_mem>>)
      %dma_wait3A_129 = arith.constant 0 : i32
      %dma_wait3A_130 = arith.constant 0 : i32
      %dma_wait3A_131 = tpu.memref_slice %arg3[%dma_wait3A_129, %dma_wait3A_130] : memref<10240x256xf32, #tpu.memory_space<hbm>> -> memref<80x256xf32, #tpu.memory_space<hbm>>
      %dma_wait3A_132 = arith.constant 0 : i32
      %dma_wait3A_133 = arith.constant 0 : i32
      %dma_wait3A_134 = tpu.memref_slice %arg3[%dma_wait3A_132, %dma_wait3A_133] : memref<10240x256xf32, #tpu.memory_space<hbm>> -> memref<80x256xf32, #tpu.memory_space<hbm>>
      tpu.wait_dma2 semaphore(%arg12 : memref<!tpu.dma_semaphore, #tpu.memory_space<semaphore_mem>>) src(%dma_wait3A_134 : memref<80x256xf32, #tpu.memory_space<hbm>>) dst(%arg7 : memref<80x256xf32, #tpu.memory_space<vmem>>)
      %add3A_135 = arith.constant 1 : i32
      %add3A_136 = arith.addi %mul3A_113, %add3A_135 : i32
      %mul3A_137 = arith.constant 80 : i32
      %mul3A_138 = arith.muli %add3A_136, %mul3A_137 : i32
      %add3A_139 = arith.addi %mul3A_2, %mul3A_138 : i32
      %dma_start3A_140 = arith.constant 0 : i32
      %dma_start3A_141 = tpu.memref_slice %arg4[%add3A_139, %dma_start3A_140] : memref<268800x256xf32, #tpu.memory_space<hbm>> -> memref<80x256xf32, #tpu.memory_space<hbm>>
      %dma_start3A_142 = arith.constant 0 : i32
      %dma_start3A_143 = tpu.memref_slice %arg4[%add3A_139, %dma_start3A_142] : memref<268800x256xf32, #tpu.memory_space<hbm>> -> memref<80x256xf32, #tpu.memory_space<hbm>>
      tpu.enqueue_dma source(%arg7 : memref<80x256xf32, #tpu.memory_space<vmem>>) target(%dma_start3A_143 : memref<80x256xf32, #tpu.memory_space<hbm>>) target_semaphore(%arg17 : memref<!tpu.dma_semaphore, #tpu.memory_space<semaphore_mem>>)
      %dma_wait3A_144 = arith.constant 0 : i32
      %dma_wait3A_145 = arith.constant 0 : i32
      %dma_wait3A_146 = tpu.memref_slice %arg3[%dma_wait3A_144, %dma_wait3A_145] : memref<10240x256xf32, #tpu.memory_space<hbm>> -> memref<80x256xf32, #tpu.memory_space<hbm>>
      %dma_wait3A_147 = arith.constant 0 : i32
      %dma_wait3A_148 = arith.constant 0 : i32
      %dma_wait3A_149 = tpu.memref_slice %arg3[%dma_wait3A_147, %dma_wait3A_148] : memref<10240x256xf32, #tpu.memory_space<hbm>> -> memref<80x256xf32, #tpu.memory_space<hbm>>
      tpu.wait_dma2 semaphore(%arg13 : memref<!tpu.dma_semaphore, #tpu.memory_space<semaphore_mem>>) src(%dma_wait3A_149 : memref<80x256xf32, #tpu.memory_space<hbm>>) dst(%arg8 : memref<80x256xf32, #tpu.memory_space<vmem>>)
      %add3A_150 = arith.constant 2 : i32
      %add3A_151 = arith.addi %mul3A_113, %add3A_150 : i32
      %mul3A_152 = arith.constant 80 : i32
      %mul3A_153 = arith.muli %add3A_151, %mul3A_152 : i32
      %add3A_154 = arith.addi %mul3A_2, %mul3A_153 : i32
      %dma_start3A_155 = arith.constant 0 : i32
      %dma_start3A_156 = tpu.memref_slice %arg4[%add3A_154, %dma_start3A_155] : memref<268800x256xf32, #tpu.memory_space<hbm>> -> memref<80x256xf32, #tpu.memory_space<hbm>>
      %dma_start3A_157 = arith.constant 0 : i32
      %dma_start3A_158 = tpu.memref_slice %arg4[%add3A_154, %dma_start3A_157] : memref<268800x256xf32, #tpu.memory_space<hbm>> -> memref<80x256xf32, #tpu.memory_space<hbm>>
      tpu.enqueue_dma source(%arg8 : memref<80x256xf32, #tpu.memory_space<vmem>>) target(%dma_start3A_158 : memref<80x256xf32, #tpu.memory_space<hbm>>) target_semaphore(%arg18 : memref<!tpu.dma_semaphore, #tpu.memory_space<semaphore_mem>>)
      %dma_wait3A_159 = arith.constant 0 : i32
      %dma_wait3A_160 = arith.constant 0 : i32
      %dma_wait3A_161 = tpu.memref_slice %arg3[%dma_wait3A_159, %dma_wait3A_160] : memref<10240x256xf32, #tpu.memory_space<hbm>> -> memref<80x256xf32, #tpu.memory_space<hbm>>
      %dma_wait3A_162 = arith.constant 0 : i32
      %dma_wait3A_163 = arith.constant 0 : i32
      %dma_wait3A_164 = tpu.memref_slice %arg3[%dma_wait3A_162, %dma_wait3A_163] : memref<10240x256xf32, #tpu.memory_space<hbm>> -> memref<80x256xf32, #tpu.memory_space<hbm>>
      tpu.wait_dma2 semaphore(%arg14 : memref<!tpu.dma_semaphore, #tpu.memory_space<semaphore_mem>>) src(%dma_wait3A_164 : memref<80x256xf32, #tpu.memory_space<hbm>>) dst(%arg9 : memref<80x256xf32, #tpu.memory_space<vmem>>)
      %add3A_165 = arith.constant 3 : i32
      %add3A_166 = arith.addi %mul3A_113, %add3A_165 : i32
      %mul3A_167 = arith.constant 80 : i32
      %mul3A_168 = arith.muli %add3A_166, %mul3A_167 : i32
      %add3A_169 = arith.addi %mul3A_2, %mul3A_168 : i32
      %dma_start3A_170 = arith.constant 0 : i32
      %dma_start3A_171 = tpu.memref_slice %arg4[%add3A_169, %dma_start3A_170] : memref<268800x256xf32, #tpu.memory_space<hbm>> -> memref<80x256xf32, #tpu.memory_space<hbm>>
      %dma_start3A_172 = arith.constant 0 : i32
      %dma_start3A_173 = tpu.memref_slice %arg4[%add3A_169, %dma_start3A_172] : memref<268800x256xf32, #tpu.memory_space<hbm>> -> memref<80x256xf32, #tpu.memory_space<hbm>>
      tpu.enqueue_dma source(%arg9 : memref<80x256xf32, #tpu.memory_space<vmem>>) target(%dma_start3A_173 : memref<80x256xf32, #tpu.memory_space<hbm>>) target_semaphore(%arg19 : memref<!tpu.dma_semaphore, #tpu.memory_space<semaphore_mem>>)
      %dma_wait3A_174 = arith.constant 0 : i32
      %dma_wait3A_175 = arith.constant 0 : i32
      %dma_wait3A_176 = tpu.memref_slice %arg3[%dma_wait3A_174, %dma_wait3A_175] : memref<10240x256xf32, #tpu.memory_space<hbm>> -> memref<80x256xf32, #tpu.memory_space<hbm>>
      %dma_wait3A_177 = arith.constant 0 : i32
      %dma_wait3A_178 = arith.constant 0 : i32
      %dma_wait3A_179 = tpu.memref_slice %arg3[%dma_wait3A_177, %dma_wait3A_178] : memref<10240x256xf32, #tpu.memory_space<hbm>> -> memref<80x256xf32, #tpu.memory_space<hbm>>
      tpu.wait_dma2 semaphore(%arg15 : memref<!tpu.dma_semaphore, #tpu.memory_space<semaphore_mem>>) src(%dma_wait3A_179 : memref<80x256xf32, #tpu.memory_space<hbm>>) dst(%arg10 : memref<80x256xf32, #tpu.memory_space<vmem>>)
      %add3A_180 = arith.constant 4 : i32
      %add3A_181 = arith.addi %mul3A_113, %add3A_180 : i32
      %mul3A_182 = arith.constant 80 : i32
      %mul3A_183 = arith.muli %add3A_181, %mul3A_182 : i32
      %add3A_184 = arith.addi %mul3A_2, %mul3A_183 : i32
      %dma_start3A_185 = arith.constant 0 : i32
      %dma_start3A_186 = tpu.memref_slice %arg4[%add3A_184, %dma_start3A_185] : memref<268800x256xf32, #tpu.memory_space<hbm>> -> memref<80x256xf32, #tpu.memory_space<hbm>>
      %dma_start3A_187 = arith.constant 0 : i32
      %dma_start3A_188 = tpu.memref_slice %arg4[%add3A_184, %dma_start3A_187] : memref<268800x256xf32, #tpu.memory_space<hbm>> -> memref<80x256xf32, #tpu.memory_space<hbm>>
      tpu.enqueue_dma source(%arg10 : memref<80x256xf32, #tpu.memory_space<vmem>>) target(%dma_start3A_188 : memref<80x256xf32, #tpu.memory_space<hbm>>) target_semaphore(%arg20 : memref<!tpu.dma_semaphore, #tpu.memory_space<semaphore_mem>>)
      %dma_wait3A_189 = arith.constant 0 : i32
      %dma_wait3A_190 = tpu.memref_slice %arg4[%mul3A_2, %dma_wait3A_189] : memref<268800x256xf32, #tpu.memory_space<hbm>> -> memref<80x256xf32, #tpu.memory_space<hbm>>
      %dma_wait3A_191 = arith.constant 0 : i32
      %dma_wait3A_192 = tpu.memref_slice %arg4[%mul3A_2, %dma_wait3A_191] : memref<268800x256xf32, #tpu.memory_space<hbm>> -> memref<80x256xf32, #tpu.memory_space<hbm>>
      tpu.wait_dma2 semaphore(%arg16 : memref<!tpu.dma_semaphore, #tpu.memory_space<semaphore_mem>>) src(%arg6 : memref<80x256xf32, #tpu.memory_space<vmem>>) dst(%dma_wait3A_192 : memref<80x256xf32, #tpu.memory_space<hbm>>)
      %add3A_193 = arith.constant 5 : i32
      %add3A_194 = arith.addi %mul3A_113, %add3A_193 : i32
      %add3A_195 = arith.constant 0 : i32
      %add3A_196 = arith.addi %add3A_194, %add3A_195 : i32
      %mul3A_197 = arith.constant 80 : i32
      %mul3A_198 = arith.muli %add3A_196, %mul3A_197 : i32
      %dma_start3A_199 = tpu.memref_slice %arg5[%mul3A_198] : memref<8400xi32, #tpu.memory_space<vmem>> -> memref<80xi32, #tpu.memory_space<vmem>>
      %dma_start3A_200 = arith.constant 0 : i32
      %dma_start3A_201 = arith.constant 0 : i32
      %dma_start3A_202 = tpu.memref_slice %arg3[%dma_start3A_200, %dma_start3A_201] : memref<10240x256xf32, #tpu.memory_space<hbm>> -> memref<10240x256xf32, #tpu.memory_space<hbm>>
      tpu.enqueue_indirect_dma source(%dma_start3A_202 : memref<10240x256xf32, #tpu.memory_space<hbm>>) target(%arg6 : memref<80x256xf32, #tpu.memory_space<vmem>>) offsets(%dma_start3A_199 : memref<80xi32, #tpu.memory_space<vmem>>) semaphore(%arg11 : memref<!tpu.dma_semaphore, #tpu.memory_space<semaphore_mem>>)
      %dma_wait3A_203 = arith.constant 0 : i32
      %dma_wait3A_204 = tpu.memref_slice %arg4[%mul3A_2, %dma_wait3A_203] : memref<268800x256xf32, #tpu.memory_space<hbm>> -> memref<80x256xf32, #tpu.memory_space<hbm>>
      %dma_wait3A_205 = arith.constant 0 : i32
      %dma_wait3A_206 = tpu.memref_slice %arg4[%mul3A_2, %dma_wait3A_205] : memref<268800x256xf32, #tpu.memory_space<hbm>> -> memref<80x256xf32, #tpu.memory_space<hbm>>
      tpu.wait_dma2 semaphore(%arg17 : memref<!tpu.dma_semaphore, #tpu.memory_space<semaphore_mem>>) src(%arg7 : memref<80x256xf32, #tpu.memory_space<vmem>>) dst(%dma_wait3A_206 : memref<80x256xf32, #tpu.memory_space<hbm>>)
      %add3A_207 = arith.constant 5 : i32
      %add3A_208 = arith.addi %mul3A_113, %add3A_207 : i32
      %add3A_209 = arith.constant 1 : i32
      %add3A_210 = arith.addi %add3A_208, %add3A_209 : i32
      %mul3A_211 = arith.constant 80 : i32
      %mul3A_212 = arith.muli %add3A_210, %mul3A_211 : i32
      %dma_start3A_213 = tpu.memref_slice %arg5[%mul3A_212] : memref<8400xi32, #tpu.memory_space<vmem>> -> memref<80xi32, #tpu.memory_space<vmem>>
      %dma_start3A_214 = arith.constant 0 : i32
      %dma_start3A_215 = arith.constant 0 : i32
      %dma_start3A_216 = tpu.memref_slice %arg3[%dma_start3A_214, %dma_start3A_215] : memref<10240x256xf32, #tpu.memory_space<hbm>> -> memref<10240x256xf32, #tpu.memory_space<hbm>>
      tpu.enqueue_indirect_dma source(%dma_start3A_216 : memref<10240x256xf32, #tpu.memory_space<hbm>>) target(%arg7 : memref<80x256xf32, #tpu.memory_space<vmem>>) offsets(%dma_start3A_213 : memref<80xi32, #tpu.memory_space<vmem>>) semaphore(%arg12 : memref<!tpu.dma_semaphore, #tpu.memory_space<semaphore_mem>>)
      %dma_wait3A_217 = arith.constant 0 : i32
      %dma_wait3A_218 = tpu.memref_slice %arg4[%mul3A_2, %dma_wait3A_217] : memref<268800x256xf32, #tpu.memory_space<hbm>> -> memref<80x256xf32, #tpu.memory_space<hbm>>
      %dma_wait3A_219 = arith.constant 0 : i32
      %dma_wait3A_220 = tpu.memref_slice %arg4[%mul3A_2, %dma_wait3A_219] : memref<268800x256xf32, #tpu.memory_space<hbm>> -> memref<80x256xf32, #tpu.memory_space<hbm>>
      tpu.wait_dma2 semaphore(%arg18 : memref<!tpu.dma_semaphore, #tpu.memory_space<semaphore_mem>>) src(%arg8 : memref<80x256xf32, #tpu.memory_space<vmem>>) dst(%dma_wait3A_220 : memref<80x256xf32, #tpu.memory_space<hbm>>)
      %add3A_221 = arith.constant 5 : i32
      %add3A_222 = arith.addi %mul3A_113, %add3A_221 : i32
      %add3A_223 = arith.constant 2 : i32
      %add3A_224 = arith.addi %add3A_222, %add3A_223 : i32
      %mul3A_225 = arith.constant 80 : i32
      %mul3A_226 = arith.muli %add3A_224, %mul3A_225 : i32
      %dma_start3A_227 = tpu.memref_slice %arg5[%mul3A_226] : memref<8400xi32, #tpu.memory_space<vmem>> -> memref<80xi32, #tpu.memory_space<vmem>>
      %dma_start3A_228 = arith.constant 0 : i32
      %dma_start3A_229 = arith.constant 0 : i32
      %dma_start3A_230 = tpu.memref_slice %arg3[%dma_start3A_228, %dma_start3A_229] : memref<10240x256xf32, #tpu.memory_space<hbm>> -> memref<10240x256xf32, #tpu.memory_space<hbm>>
      tpu.enqueue_indirect_dma source(%dma_start3A_230 : memref<10240x256xf32, #tpu.memory_space<hbm>>) target(%arg8 : memref<80x256xf32, #tpu.memory_space<vmem>>) offsets(%dma_start3A_227 : memref<80xi32, #tpu.memory_space<vmem>>) semaphore(%arg13 : memref<!tpu.dma_semaphore, #tpu.memory_space<semaphore_mem>>)
      %dma_wait3A_231 = arith.constant 0 : i32
      %dma_wait3A_232 = tpu.memref_slice %arg4[%mul3A_2, %dma_wait3A_231] : memref<268800x256xf32, #tpu.memory_space<hbm>> -> memref<80x256xf32, #tpu.memory_space<hbm>>
      %dma_wait3A_233 = arith.constant 0 : i32
      %dma_wait3A_234 = tpu.memref_slice %arg4[%mul3A_2, %dma_wait3A_233] : memref<268800x256xf32, #tpu.memory_space<hbm>> -> memref<80x256xf32, #tpu.memory_space<hbm>>
      tpu.wait_dma2 semaphore(%arg19 : memref<!tpu.dma_semaphore, #tpu.memory_space<semaphore_mem>>) src(%arg9 : memref<80x256xf32, #tpu.memory_space<vmem>>) dst(%dma_wait3A_234 : memref<80x256xf32, #tpu.memory_space<hbm>>)
      %add3A_235 = arith.constant 5 : i32
      %add3A_236 = arith.addi %mul3A_113, %add3A_235 : i32
      %add3A_237 = arith.constant 3 : i32
      %add3A_238 = arith.addi %add3A_236, %add3A_237 : i32
      %mul3A_239 = arith.constant 80 : i32
      %mul3A_240 = arith.muli %add3A_238, %mul3A_239 : i32
      %dma_start3A_241 = tpu.memref_slice %arg5[%mul3A_240] : memref<8400xi32, #tpu.memory_space<vmem>> -> memref<80xi32, #tpu.memory_space<vmem>>
      %dma_start3A_242 = arith.constant 0 : i32
      %dma_start3A_243 = arith.constant 0 : i32
      %dma_start3A_244 = tpu.memref_slice %arg3[%dma_start3A_242, %dma_start3A_243] : memref<10240x256xf32, #tpu.memory_space<hbm>> -> memref<10240x256xf32, #tpu.memory_space<hbm>>
      tpu.enqueue_indirect_dma source(%dma_start3A_244 : memref<10240x256xf32, #tpu.memory_space<hbm>>) target(%arg9 : memref<80x256xf32, #tpu.memory_space<vmem>>) offsets(%dma_start3A_241 : memref<80xi32, #tpu.memory_space<vmem>>) semaphore(%arg14 : memref<!tpu.dma_semaphore, #tpu.memory_space<semaphore_mem>>)
      %dma_wait3A_245 = arith.constant 0 : i32
      %dma_wait3A_246 = tpu.memref_slice %arg4[%mul3A_2, %dma_wait3A_245] : memref<268800x256xf32, #tpu.memory_space<hbm>> -> memref<80x256xf32, #tpu.memory_space<hbm>>
      %dma_wait3A_247 = arith.constant 0 : i32
      %dma_wait3A_248 = tpu.memref_slice %arg4[%mul3A_2, %dma_wait3A_247] : memref<268800x256xf32, #tpu.memory_space<hbm>> -> memref<80x256xf32, #tpu.memory_space<hbm>>
      tpu.wait_dma2 semaphore(%arg20 : memref<!tpu.dma_semaphore, #tpu.memory_space<semaphore_mem>>) src(%arg10 : memref<80x256xf32, #tpu.memory_space<vmem>>) dst(%dma_wait3A_248 : memref<80x256xf32, #tpu.memory_space<hbm>>)
      %add3A_249 = arith.constant 5 : i32
      %add3A_250 = arith.addi %mul3A_113, %add3A_249 : i32
      %add3A_251 = arith.constant 4 : i32
      %add3A_252 = arith.addi %add3A_250, %add3A_251 : i32
      %mul3A_253 = arith.constant 80 : i32
      %mul3A_254 = arith.muli %add3A_252, %mul3A_253 : i32
      %dma_start3A_255 = tpu.memref_slice %arg5[%mul3A_254] : memref<8400xi32, #tpu.memory_space<vmem>> -> memref<80xi32, #tpu.memory_space<vmem>>
      %dma_start3A_256 = arith.constant 0 : i32
      %dma_start3A_257 = arith.constant 0 : i32
      %dma_start3A_258 = tpu.memref_slice %arg3[%dma_start3A_256, %dma_start3A_257] : memref<10240x256xf32, #tpu.memory_space<hbm>> -> memref<10240x256xf32, #tpu.memory_space<hbm>>
      tpu.enqueue_indirect_dma source(%dma_start3A_258 : memref<10240x256xf32, #tpu.memory_space<hbm>>) target(%arg10 : memref<80x256xf32, #tpu.memory_space<vmem>>) offsets(%dma_start3A_255 : memref<80xi32, #tpu.memory_space<vmem>>) semaphore(%arg15 : memref<!tpu.dma_semaphore, #tpu.memory_space<semaphore_mem>>)
    }
    %scan3A_31 = arith.constant 20 : i32
    %dma_wait3A = arith.constant 0 : i32
    %dma_wait3A_32 = arith.constant 0 : i32
    %dma_wait3A_33 = tpu.memref_slice %arg3[%dma_wait3A, %dma_wait3A_32] : memref<10240x256xf32, #tpu.memory_space<hbm>> -> memref<80x256xf32, #tpu.memory_space<hbm>>
    %dma_wait3A_34 = arith.constant 0 : i32
    %dma_wait3A_35 = arith.constant 0 : i32
    %dma_wait3A_36 = tpu.memref_slice %arg3[%dma_wait3A_34, %dma_wait3A_35] : memref<10240x256xf32, #tpu.memory_space<hbm>> -> memref<80x256xf32, #tpu.memory_space<hbm>>
    tpu.wait_dma2 semaphore(%arg11 : memref<!tpu.dma_semaphore, #tpu.memory_space<semaphore_mem>>) src(%dma_wait3A_36 : memref<80x256xf32, #tpu.memory_space<hbm>>) dst(%arg6 : memref<80x256xf32, #tpu.memory_space<vmem>>)
    %add3A_37 = arith.constant 8000 : i32
    %add3A_38 = arith.addi %mul3A_2, %add3A_37 : i32
    %dma_start3A_39 = arith.constant 0 : i32
    %dma_start3A_40 = tpu.memref_slice %arg4[%add3A_38, %dma_start3A_39] : memref<268800x256xf32, #tpu.memory_space<hbm>> -> memref<80x256xf32, #tpu.memory_space<hbm>>
    %dma_start3A_41 = arith.constant 0 : i32
    %dma_start3A_42 = tpu.memref_slice %arg4[%add3A_38, %dma_start3A_41] : memref<268800x256xf32, #tpu.memory_space<hbm>> -> memref<80x256xf32, #tpu.memory_space<hbm>>
    tpu.enqueue_dma source(%arg6 : memref<80x256xf32, #tpu.memory_space<vmem>>) target(%dma_start3A_42 : memref<80x256xf32, #tpu.memory_space<hbm>>) target_semaphore(%arg16 : memref<!tpu.dma_semaphore, #tpu.memory_space<semaphore_mem>>)
    %dma_wait3A_43 = arith.constant 0 : i32
    %dma_wait3A_44 = arith.constant 0 : i32
    %dma_wait3A_45 = tpu.memref_slice %arg3[%dma_wait3A_43, %dma_wait3A_44] : memref<10240x256xf32, #tpu.memory_space<hbm>> -> memref<80x256xf32, #tpu.memory_space<hbm>>
    %dma_wait3A_46 = arith.constant 0 : i32
    %dma_wait3A_47 = arith.constant 0 : i32
    %dma_wait3A_48 = tpu.memref_slice %arg3[%dma_wait3A_46, %dma_wait3A_47] : memref<10240x256xf32, #tpu.memory_space<hbm>> -> memref<80x256xf32, #tpu.memory_space<hbm>>
    tpu.wait_dma2 semaphore(%arg12 : memref<!tpu.dma_semaphore, #tpu.memory_space<semaphore_mem>>) src(%dma_wait3A_48 : memref<80x256xf32, #tpu.memory_space<hbm>>) dst(%arg7 : memref<80x256xf32, #tpu.memory_space<vmem>>)
    %add3A_49 = arith.constant 8080 : i32
    %add3A_50 = arith.addi %mul3A_2, %add3A_49 : i32
    %dma_start3A_51 = arith.constant 0 : i32
    %dma_start3A_52 = tpu.memref_slice %arg4[%add3A_50, %dma_start3A_51] : memref<268800x256xf32, #tpu.memory_space<hbm>> -> memref<80x256xf32, #tpu.memory_space<hbm>>
    %dma_start3A_53 = arith.constant 0 : i32
    %dma_start3A_54 = tpu.memref_slice %arg4[%add3A_50, %dma_start3A_53] : memref<268800x256xf32, #tpu.memory_space<hbm>> -> memref<80x256xf32, #tpu.memory_space<hbm>>
    tpu.enqueue_dma source(%arg7 : memref<80x256xf32, #tpu.memory_space<vmem>>) target(%dma_start3A_54 : memref<80x256xf32, #tpu.memory_space<hbm>>) target_semaphore(%arg17 : memref<!tpu.dma_semaphore, #tpu.memory_space<semaphore_mem>>)
    %dma_wait3A_55 = arith.constant 0 : i32
    %dma_wait3A_56 = arith.constant 0 : i32
    %dma_wait3A_57 = tpu.memref_slice %arg3[%dma_wait3A_55, %dma_wait3A_56] : memref<10240x256xf32, #tpu.memory_space<hbm>> -> memref<80x256xf32, #tpu.memory_space<hbm>>
    %dma_wait3A_58 = arith.constant 0 : i32
    %dma_wait3A_59 = arith.constant 0 : i32
    %dma_wait3A_60 = tpu.memref_slice %arg3[%dma_wait3A_58, %dma_wait3A_59] : memref<10240x256xf32, #tpu.memory_space<hbm>> -> memref<80x256xf32, #tpu.memory_space<hbm>>
    tpu.wait_dma2 semaphore(%arg13 : memref<!tpu.dma_semaphore, #tpu.memory_space<semaphore_mem>>) src(%dma_wait3A_60 : memref<80x256xf32, #tpu.memory_space<hbm>>) dst(%arg8 : memref<80x256xf32, #tpu.memory_space<vmem>>)
    %add3A_61 = arith.constant 8160 : i32
    %add3A_62 = arith.addi %mul3A_2, %add3A_61 : i32
    %dma_start3A_63 = arith.constant 0 : i32
    %dma_start3A_64 = tpu.memref_slice %arg4[%add3A_62, %dma_start3A_63] : memref<268800x256xf32, #tpu.memory_space<hbm>> -> memref<80x256xf32, #tpu.memory_space<hbm>>
    %dma_start3A_65 = arith.constant 0 : i32
    %dma_start3A_66 = tpu.memref_slice %arg4[%add3A_62, %dma_start3A_65] : memref<268800x256xf32, #tpu.memory_space<hbm>> -> memref<80x256xf32, #tpu.memory_space<hbm>>
    tpu.enqueue_dma source(%arg8 : memref<80x256xf32, #tpu.memory_space<vmem>>) target(%dma_start3A_66 : memref<80x256xf32, #tpu.memory_space<hbm>>) target_semaphore(%arg18 : memref<!tpu.dma_semaphore, #tpu.memory_space<semaphore_mem>>)
    %dma_wait3A_67 = arith.constant 0 : i32
    %dma_wait3A_68 = arith.constant 0 : i32
    %dma_wait3A_69 = tpu.memref_slice %arg3[%dma_wait3A_67, %dma_wait3A_68] : memref<10240x256xf32, #tpu.memory_space<hbm>> -> memref<80x256xf32, #tpu.memory_space<hbm>>
    %dma_wait3A_70 = arith.constant 0 : i32
    %dma_wait3A_71 = arith.constant 0 : i32
    %dma_wait3A_72 = tpu.memref_slice %arg3[%dma_wait3A_70, %dma_wait3A_71] : memref<10240x256xf32, #tpu.memory_space<hbm>> -> memref<80x256xf32, #tpu.memory_space<hbm>>
    tpu.wait_dma2 semaphore(%arg14 : memref<!tpu.dma_semaphore, #tpu.memory_space<semaphore_mem>>) src(%dma_wait3A_72 : memref<80x256xf32, #tpu.memory_space<hbm>>) dst(%arg9 : memref<80x256xf32, #tpu.memory_space<vmem>>)
    %add3A_73 = arith.constant 8240 : i32
    %add3A_74 = arith.addi %mul3A_2, %add3A_73 : i32
    %dma_start3A_75 = arith.constant 0 : i32
    %dma_start3A_76 = tpu.memref_slice %arg4[%add3A_74, %dma_start3A_75] : memref<268800x256xf32, #tpu.memory_space<hbm>> -> memref<80x256xf32, #tpu.memory_space<hbm>>
    %dma_start3A_77 = arith.constant 0 : i32
    %dma_start3A_78 = tpu.memref_slice %arg4[%add3A_74, %dma_start3A_77] : memref<268800x256xf32, #tpu.memory_space<hbm>> -> memref<80x256xf32, #tpu.memory_space<hbm>>
    tpu.enqueue_dma source(%arg9 : memref<80x256xf32, #tpu.memory_space<vmem>>) target(%dma_start3A_78 : memref<80x256xf32, #tpu.memory_space<hbm>>) target_semaphore(%arg19 : memref<!tpu.dma_semaphore, #tpu.memory_space<semaphore_mem>>)
    %dma_wait3A_79 = arith.constant 0 : i32
    %dma_wait3A_80 = arith.constant 0 : i32
    %dma_wait3A_81 = tpu.memref_slice %arg3[%dma_wait3A_79, %dma_wait3A_80] : memref<10240x256xf32, #tpu.memory_space<hbm>> -> memref<80x256xf32, #tpu.memory_space<hbm>>
    %dma_wait3A_82 = arith.constant 0 : i32
    %dma_wait3A_83 = arith.constant 0 : i32
    %dma_wait3A_84 = tpu.memref_slice %arg3[%dma_wait3A_82, %dma_wait3A_83] : memref<10240x256xf32, #tpu.memory_space<hbm>> -> memref<80x256xf32, #tpu.memory_space<hbm>>
    tpu.wait_dma2 semaphore(%arg15 : memref<!tpu.dma_semaphore, #tpu.memory_space<semaphore_mem>>) src(%dma_wait3A_84 : memref<80x256xf32, #tpu.memory_space<hbm>>) dst(%arg10 : memref<80x256xf32, #tpu.memory_space<vmem>>)
    %add3A_85 = arith.constant 8320 : i32
    %add3A_86 = arith.addi %mul3A_2, %add3A_85 : i32
    %dma_start3A_87 = arith.constant 0 : i32
    %dma_start3A_88 = tpu.memref_slice %arg4[%add3A_86, %dma_start3A_87] : memref<268800x256xf32, #tpu.memory_space<hbm>> -> memref<80x256xf32, #tpu.memory_space<hbm>>
    %dma_start3A_89 = arith.constant 0 : i32
    %dma_start3A_90 = tpu.memref_slice %arg4[%add3A_86, %dma_start3A_89] : memref<268800x256xf32, #tpu.memory_space<hbm>> -> memref<80x256xf32, #tpu.memory_space<hbm>>
    tpu.enqueue_dma source(%arg10 : memref<80x256xf32, #tpu.memory_space<vmem>>) target(%dma_start3A_90 : memref<80x256xf32, #tpu.memory_space<hbm>>) target_semaphore(%arg20 : memref<!tpu.dma_semaphore, #tpu.memory_space<semaphore_mem>>)
    %dma_wait3A_91 = arith.constant 0 : i32
    %dma_wait3A_92 = tpu.memref_slice %arg4[%mul3A_2, %dma_wait3A_91] : memref<268800x256xf32, #tpu.memory_space<hbm>> -> memref<80x256xf32, #tpu.memory_space<hbm>>
    %dma_wait3A_93 = arith.constant 0 : i32
    %dma_wait3A_94 = tpu.memref_slice %arg4[%mul3A_2, %dma_wait3A_93] : memref<268800x256xf32, #tpu.memory_space<hbm>> -> memref<80x256xf32, #tpu.memory_space<hbm>>
    tpu.wait_dma2 semaphore(%arg16 : memref<!tpu.dma_semaphore, #tpu.memory_space<semaphore_mem>>) src(%arg6 : memref<80x256xf32, #tpu.memory_space<vmem>>) dst(%dma_wait3A_94 : memref<80x256xf32, #tpu.memory_space<hbm>>)
    %dma_wait3A_95 = arith.constant 0 : i32
    %dma_wait3A_96 = tpu.memref_slice %arg4[%mul3A_2, %dma_wait3A_95] : memref<268800x256xf32, #tpu.memory_space<hbm>> -> memref<80x256xf32, #tpu.memory_space<hbm>>
    %dma_wait3A_97 = arith.constant 0 : i32
    %dma_wait3A_98 = tpu.memref_slice %arg4[%mul3A_2, %dma_wait3A_97] : memref<268800x256xf32, #tpu.memory_space<hbm>> -> memref<80x256xf32, #tpu.memory_space<hbm>>
    tpu.wait_dma2 semaphore(%arg17 : memref<!tpu.dma_semaphore, #tpu.memory_space<semaphore_mem>>) src(%arg7 : memref<80x256xf32, #tpu.memory_space<vmem>>) dst(%dma_wait3A_98 : memref<80x256xf32, #tpu.memory_space<hbm>>)
    %dma_wait3A_99 = arith.constant 0 : i32
    %dma_wait3A_100 = tpu.memref_slice %arg4[%mul3A_2, %dma_wait3A_99] : memref<268800x256xf32, #tpu.memory_space<hbm>> -> memref<80x256xf32, #tpu.memory_space<hbm>>
    %dma_wait3A_101 = arith.constant 0 : i32
    %dma_wait3A_102 = tpu.memref_slice %arg4[%mul3A_2, %dma_wait3A_101] : memref<268800x256xf32, #tpu.memory_space<hbm>> -> memref<80x256xf32, #tpu.memory_space<hbm>>
    tpu.wait_dma2 semaphore(%arg18 : memref<!tpu.dma_semaphore, #tpu.memory_space<semaphore_mem>>) src(%arg8 : memref<80x256xf32, #tpu.memory_space<vmem>>) dst(%dma_wait3A_102 : memref<80x256xf32, #tpu.memory_space<hbm>>)
    %dma_wait3A_103 = arith.constant 0 : i32
    %dma_wait3A_104 = tpu.memref_slice %arg4[%mul3A_2, %dma_wait3A_103] : memref<268800x256xf32, #tpu.memory_space<hbm>> -> memref<80x256xf32, #tpu.memory_space<hbm>>
    %dma_wait3A_105 = arith.constant 0 : i32
    %dma_wait3A_106 = tpu.memref_slice %arg4[%mul3A_2, %dma_wait3A_105] : memref<268800x256xf32, #tpu.memory_space<hbm>> -> memref<80x256xf32, #tpu.memory_space<hbm>>
    tpu.wait_dma2 semaphore(%arg19 : memref<!tpu.dma_semaphore, #tpu.memory_space<semaphore_mem>>) src(%arg9 : memref<80x256xf32, #tpu.memory_space<vmem>>) dst(%dma_wait3A_106 : memref<80x256xf32, #tpu.memory_space<hbm>>)
    %dma_wait3A_107 = arith.constant 0 : i32
    %dma_wait3A_108 = tpu.memref_slice %arg4[%mul3A_2, %dma_wait3A_107] : memref<268800x256xf32, #tpu.memory_space<hbm>> -> memref<80x256xf32, #tpu.memory_space<hbm>>
    %dma_wait3A_109 = arith.constant 0 : i32
    %dma_wait3A_110 = tpu.memref_slice %arg4[%mul3A_2, %dma_wait3A_109] : memref<268800x256xf32, #tpu.memory_space<hbm>> -> memref<80x256xf32, #tpu.memory_space<hbm>>
    tpu.wait_dma2 semaphore(%arg20 : memref<!tpu.dma_semaphore, #tpu.memory_space<semaphore_mem>>) src(%arg10 : memref<80x256xf32, #tpu.memory_space<vmem>>) dst(%dma_wait3A_110 : memref<80x256xf32, #tpu.memory_space<hbm>>)
    return
  }
}

module attributes {stable_mosaic.version = 14 : i64} {
  func.func @body(%arg0: i32, %arg1: memref<4200x256xf32, #tpu.memory_space<vmem>>, %arg2: memref<1x200x21x256xf32, #tpu.memory_space<vmem>>) attributes {dimension_semantics = [#tpu.dimension_semantics<arbitrary>], iteration_bounds = array<i64: 64>, scalar_prefetch = 0 : i64, scratch_operands = 0 : i64, tpu.core_type = #tpu.core_type<tc>, window_params = [{transform_indices = @transform_0, window_bounds = array<i64: 4200, 256>}, {transform_indices = @transform_1, window_bounds = array<i64: 1, 200, 21, 256>}]} {
    %get3A = arith.constant 0 : index
    %get3A_0 = arith.constant 0 : index
    %get3A_1 = vector.load %arg1[%get3A, %get3A_0] : memref<4200x256xf32, #tpu.memory_space<vmem>>, vector<4200x256xf32>
    %reshape3A = vector.shape_cast %get3A_1 : vector<4200x256xf32> to vector<1x200x21x256xf32>
    %swap3A = arith.constant 0 : index
    %swap3A_2 = arith.constant 0 : index
    %swap3A_3 = arith.constant 0 : index
    %swap3A_4 = arith.constant 0 : index
    %swap3A_5 = vector.load %arg2[%swap3A, %swap3A_2, %swap3A_3, %swap3A_4] : memref<1x200x21x256xf32, #tpu.memory_space<vmem>>, vector<1x200x21x256xf32>
    tpu.vector_store %arg2[%swap3A, %swap3A_2, %swap3A_3, %swap3A_4], %reshape3A {strides = array<i32>} : memref<1x200x21x256xf32, #tpu.memory_space<vmem>>, vector<1x200x21x256xf32>,
    return
  }
  func.func @transform_0(%arg0: i32) -> (i32, i32) {
    %c0_i32 = arith.constant 0 : i32
    %c0_i32_0 = arith.constant 0 : i32
    return %arg0, %c0_i32 : i32, i32
  }
  func.func @transform_1(%arg0: i32) -> (i32, i32, i32, i32) {
    %c0_i32 = arith.constant 0 : i32
    %c0_i32_0 = arith.constant 0 : i32
    %c0_i32_1 = arith.constant 0 : i32
    %c0_i32_2 = arith.constant 0 : i32
    return %arg0, %c0_i32, %c0_i32_0, %c0_i32_1 : i32, i32, i32, i32
  }
}

</mosaic_0001>

<sc_bundles>
// kernel: kernel.4.cloned.1.call-start
scs
__scs_entry_jumppad:
0x0: {  	(pc) =	sbr.rel $0x88, $3  }
0x1: {  	(tag) =	ssettag $0x0;
	lr =	simm.s32 $0x1  }
0x2: {  	[smem:$0x3F9F] =	sst lr;
	_ =	strace $0xD0000000  }
0x3: {  	_ = 	snop  }
0x4: {  	_ = 	snop  }
0x5: {  	_ = 	snop  }
0x6: {  	_ = 	snop  }
0x7: {  	_ = 	snop  }
__scs_overlays_trampoline_lowered:
0x8: {  	[smem:$0x3FAE] =	sst s0  }
0x9: {  	[smem:$0x3FAF] =	sst s1  }
0xa: {  	[smem:$0x3FB0] =	sst s2  }
0xb: {  	[smem:$0x3FB1] =	sst s3  }
0xc: {  	[smem:$0x3FB2] =	sst s4  }
0xd: {  	[smem:$0x3FB3] =	sst s5  }
0xe: {  	[smem:$0x3FB4] =	sst s6  }
0xf: {  	[smem:$0x3FB5] =	sst s7  }
0x10: {  	[smem:$0x3FB6] =	sst s8  }
0x11: {  	[smem:$0x3FB7] =	sst s9;
	s0 =	simm.s32 @!p0 $0x0  }
0x12: {  	s1 =	sld [smem:$0x3F9D];
	s0 =	simm.s32 @p0 $0x1  }
0x13: {  	[smem:$0x3FB8] =	sst s0;
	s0 =	simm.s32 @!p1 $0x0  }
0x14: {  	s2 =	sld [smem:$0x3F9C];
	s0 =	simm.s32 @p1 $0x1  }
0x15: {  	[smem:$0x3FB9] =	sst s0;
	s0 =	simm.s32 @!p2 $0x0  }
0x16: {  	s3 =	sld [smem:$0x3FDB];
	s0 =	simm.s32 @p2 $0x1  }
0x17: {  	s4 =	simm.s32 $0x1BF5;
	[smem:$0x3FBB] =	sst s0  }
0x18: {  	s0 =	sld [smem:$0x3F9E];
	_ =	swait.ge [sflag:s4], $0x0  }
0x19: {  	s7 =	sld [smem:$0x3F9F]  }
0x1a: {  	s8 =	sadd.s32 $0xFFFFE003, lr  }
0x1b: {  	s9 =	sadd.s32 $0xFFFFFEF7, lr;
	s5 =	simm.s32 $0xFFFFFFFF;
	p2 =	slt.u32 s8, $0xFFFFF086  }
0x1c: {  	p1 =	slt.u32 s9, $0xF7A;
	s5 =	simm.s32 @!p2 $0x0  }
0x1d: {  	s5 =	simm.s32 @p1 $0x1;
	p0 =	seq.s32 s7, s2  }
0x1e: {  	s7 =	smul.u32 @!p0 $0xF7A, s2;
	p2 =	seq.s32 @!p0 s5, $0x0  }
0x1f: {  	s9 =	smul.u32 $0xF7A, s1;
	s8 =	simm.s32 @!p0 $0x1BF5;
	p2 =	por !p2, p0  }
0x20: {  	[sflag:s8] =	ssyncset.s32 @!p0 $0xFFFFF086;
	s6 =	sadd.s32 @!p0 s3, s7;
	s7 =	simm.s32 @!p0 $0x108  }
0x21: {  	s3 =	sadd.s32 s3, s9;
	s6 =	sadd.s32 @!p0 $0x88, s6;
	s7 =	simm.s32 @p2 $0x1082  }
0x22: {  	[simem:s7], [sflag:s8] =	dma.local @!p0 [hbm:s6], $0xF7A  }
0x23: {  	s9 =	sor.u32 $0xD0000000, s2;
	s6 =	simm.s32 $0x108;
	_ =	swait.ge @!p0 [sflag:s8], $0x0  }
0x24: {  	s3 =	sadd.s32 $0x88, s3;
	s6 =	simm.s32 @!p1 $0x1082;
	[sflag:s4] =	ssyncset.s32 $0xFFFFF086  }
0x25: {  	[simem:s6], [sflag:s4] =	dma.local [hbm:s3], $0xF7A  }
0x26: {  	[smem:$0x3F9F] =	sst s1;
	(tag) =	ssettag s2;
	_ =	strace s9  }
0x27: {  	s1 =	sld [smem:$0x3FAF]  }
0x28: {  	s2 =	sld [smem:$0x3FB0]  }
0x29: {  	s4 =	sld [smem:$0x3FB2]  }
0x2a: {  	p0 =	seq.s32 s5, $0x0;
	s5 =	sld [smem:$0x3FB3]  }
0x2b: {  	s6 =	sld [smem:$0x3FB4]  }
0x2c: {  	s7 =	sld [smem:$0x3FB5]  }
0x2d: {  	s3 =	simm.s32 $0x108;
	s8 =	sld [smem:$0x3FB6]  }
0x2e: {  	s3 =	simm.s32 @!p0 $0x1082;
	s9 =	sld [smem:$0x3FB7]  }
0x2f: {  	lr =	sadd.s32 s0, s3;
	s0 =	sld [smem:$0x3FAE]  }
0x30: {  	s3 =	sld [smem:$0x3FB1]  }
0x31: {  	[smem:$0x3FBA] =	sst s10  }
0x32: {  	s10 =	sld [smem:$0x3FB8];
	_ =	sdelay $0x3  }
0x33: {  	p0 =	seq.s32 s10, $0x1;
	s10 =	sld [smem:$0x3FBA];
	_ =	sdelay $0x3  }
0x34: {  	[smem:$0x3FBA] =	sst s10  }
0x35: {  	s10 =	sld [smem:$0x3FB9];
	_ =	sdelay $0x3  }
0x36: {  	p1 =	seq.s32 s10, $0x1;
	s10 =	sld [smem:$0x3FBA];
	_ =	sdelay $0x3  }
0x37: {  	[smem:$0x3FBA] =	sst s10  }
0x38: {  	s10 =	sld [smem:$0x3FBB]  }
0x39: {  	_ = 	snop;
	(pc) =	sbr.ind lr, $3  }
0x3a: {  	_ = 	snop  }
0x3b: {  	_ = 	snop  }
0x3c: {  	p2 =	seq.s32 s10, $0x1;
	s10 =	sld [smem:$0x3FBA]  }
0x3d: {  	_ =	shalt  }
0x3e: {  	_ =	shalt  }
0x3f: {  	_ =	shalt  }
0x40: {  	_ =	shalt  }
0x41: {  	_ =	shalt  }
0x42: {  	_ =	shalt  }
0x43: {  	_ =	shalt  }
0x44: {  	_ =	shalt  }
0x45: {  	_ =	shalt  }
0x46: {  	_ =	shalt  }
0x47: {  	_ =	shalt  }
0x48: {  	_ =	shalt  }
0x49: {  	_ =	shalt  }
0x4a: {  	_ =	shalt  }
0x4b: {  	_ =	shalt  }
0x4c: {  	_ =	shalt  }
0x4d: {  	_ =	shalt  }
0x4e: {  	_ =	shalt  }
0x4f: {  	_ =	shalt  }
0x50: {  	_ =	shalt  }
0x51: {  	_ =	shalt  }
0x52: {  	_ =	shalt  }
0x53: {  	_ =	shalt  }
0x54: {  	_ =	shalt  }
0x55: {  	_ =	shalt  }
0x56: {  	_ =	shalt  }
0x57: {  	_ =	shalt  }
0x58: {  	_ =	shalt  }
0x59: {  	_ =	shalt  }
0x5a: {  	_ =	shalt  }
0x5b: {  	_ =	shalt  }
0x5c: {  	_ =	shalt  }
0x5d: {  	_ =	shalt  }
0x5e: {  	_ =	shalt  }
0x5f: {  	_ =	shalt  }
0x60: {  	_ =	shalt  }
0x61: {  	_ =	shalt  }
0x62: {  	_ =	shalt  }
0x63: {  	_ =	shalt  }
0x64: {  	_ =	shalt  }
0x65: {  	_ =	shalt  }
0x66: {  	_ =	shalt  }
0x67: {  	_ =	shalt  }
0x68: {  	_ =	shalt  }
0x69: {  	_ =	shalt  }
0x6a: {  	_ =	shalt  }
0x6b: {  	_ =	shalt  }
0x6c: {  	_ =	shalt  }
0x6d: {  	_ =	shalt  }
0x6e: {  	_ =	shalt  }
0x6f: {  	_ =	shalt  }
0x70: {  	_ =	shalt  }
0x71: {  	_ =	shalt  }
0x72: {  	_ =	shalt  }
0x73: {  	_ =	shalt  }
0x74: {  	_ =	shalt  }
0x75: {  	_ =	shalt  }
0x76: {  	_ =	shalt  }
0x77: {  	_ =	shalt  }
0x78: {  	_ =	shalt  }
0x79: {  	_ =	shalt  }
0x7a: {  	_ =	shalt  }
0x7b: {  	_ =	shalt  }
0x7c: {  	_ =	shalt  }
0x7d: {  	_ =	shalt  }
0x7e: {  	_ =	shalt  }
0x7f: {  	_ =	shalt  }
0x80: {  	_ =	shalt  }
0x81: {  	_ =	shalt  }
0x82: {  	_ =	shalt  }
0x83: {  	_ =	shalt  }
0x84: {  	_ =	shalt  }
0x85: {  	_ =	shalt  }
0x86: {  	_ =	shalt  }
0x87: {  	_ =	shalt  }
.Lfunc_end0:
.L_simem_size_0:
called_computation_lowered:
.L_overlay_start_0:
0x88: {  	s2 =	sld [smem:$0x3FD9]  }
0x89: {  	s3 =	sld [smem:$0x3FFE];
	_ =	sdelay $0x1  }
0x8a: {  	s1 =	srdreg.scid  }
0x8b: {  	s0 =	sand.u32 $0x1, s1  }
0x8c: {  	s17 =	sshll.u32 s0, $0xA;
	s2 =	sadd.s32 s3, s2  }
0x8d: {  	s2 =	sadd.s32 s2, s17  }
0x8e: {  	[smem:$0x3FC6] =	sst s2  }
0x8f: {  	_ = 	snop  }
0x90: {  	s2 =	sld [smem:$0x3FC8]  }
0x91: {  	s18 =	sld [smem:$0x3FD0];
	(tm) =	ssettm $0x1  }
0x92: {  	s4 =	sld [smem:$0x3FFB];
	_ =	sdelay $0x3  }
0x93: {  	_ =	strace s4  }
0x94: {  	s4 =	sld [smem:$0x3FFC];
	_ =	sdelay $0x3  }
0x95: {  	_ =	strace s4  }
0x96: {  	s4 =	sld [smem:$0x3FFD];
	_ =	sdelay $0x3  }
0x97: {  	_ =	strace s4  }
0x98: {  	_ =	strace $0x8FFFFFFF  }
0x99: {  	s19 =	sld [smem:$0x3FDB];
	_ =	sdelay $0x1  }
0x9a: {  	s5 =	simm.s32 $_scs_section_size  }
0x9b: {  	s6 =	simm.s32 $_size__tile_overlayer_lowered;
	s7 =	simm.s32 $_tile_overlayer_lowered  }
0x9c: {  	s22 =	simm.s32 $0x1BFF;
	s21 =	sshll.u32 s7, $0x1;
	s4 =	sadd.s32 s5, s19  }
0x9d: {  	s8 =	simm.s32 $0x0;
	s20 =	sshll.u32 s6, $0x1;
	s6 =	sadd.s32 s21, s4  }
0x9e: {  	[timem:s8], [sflag:s22] =	dma.local [hbm:s6], s20  }
0x9f: {  	_ =	swait.ge [sflag:s22], s20  }
0xa0: {  	s5 =	ssub.s32 $0x0, s20;
	[sflag:s22] =	ssyncset.done $0x0  }
0xa1: {  	[sflag:s22] =	ssyncadd.s32 s5;
	_ =	sdelay $0x1  }
0xa2: {  	s23 =	simm.s32 $0x1B8B  }
0xa3: {  	_ =	swait.ge [sflag:s23], $0x1  }
0xa4: {  	[sflag:s23] =	ssyncset.done $0x0  }
0xa5: {  	s25 =	simm.s32 $0x1B8E;
	s24 =	sld [smem:$0x3FFE];
	[sflag:s23] =	ssyncadd.s32 $0xFFFFFFFF  }
0xa6: {  	s26 =	simm.s32 $execute0_lowered;
	[smem:$0x3FD2] =	sst s25  }
0xa7: {  	s6 =	sshll.u32 s26, $0x1;
	_ =	strace $0x80000046;
	[dreg:$0x1] =	wrdreg $0xFFFFFFFF  }
0xa8: {  	s28 =	simm.s32 $_size_execute0_lowered;
	s4 =	sadd.s32 s4, s6;
	[dreg:$0x0] =	wrdreg $0x0  }
0xa9: {  	s6 =	sshll.u32 s28, $0x1;
	[dreg:$0x2] =	wrdreg s4  }
0xaa: {  	[dreg:$0x3] =	wrdreg s6  }
0xab: {  	[dreg:$0x4] =	wrdreg $0xC0  }
0xac: {  	_ =	task [dreg:s8], $0x5FFFF  }
0xad: {  	[dreg:$0x1] =	wrdreg $0xFFFFFFFF  }
0xae: {  	[dreg:$0x0] =	wrdreg $0x60  }
0xaf: {  	[dreg:$0x2] =	wrdreg s24  }
0xb0: {  	[dreg:$0x3] =	wrdreg s2  }
0xb1: {  	[dreg:$0x4] =	wrdreg s18  }
0xb2: {  	[dreg:$0x5] =	wrdreg $0x9  }
0xb3: {  	_ =	task.clear_ibuf [dreg:s8], $0x6FFFF;
	_ =	strace $0x90000046  }
0xb4: {  	s29 =	simm.s32 $0x9;
	_ =	strace $0x80000048  }
0xb5: {  	_ =	swait.ge [sflag:s29], $0x1  }
0xb6: {  	[sflag:s29] =	ssyncadd.s32 $0xFFFFFFFF  }
0xb7: {  	_ =	strace $0x90000048  }
0xb8: {  	_ =	sfence  }
0xb9: {  	s30 =	sld [smem:$0x0];
	_ =	sdelay $0x2  }
0xba: {  	s31 =	sshll.u32 s1, $0xD;
	s1 =	sshrl.u32 s1, $0x2  }
0xbb: {  	s3 =	sand.u32 $0x4000, s31;
	s1 =	sadd.s32 s1, s30  }
0xbc: {  	s0 =	sor.u32 s3, s0;
	s1 =	sshll.u32 s1, $0x11  }
0xbd: {  	s0 =	sor.u32 s1, s0  }
0xbe: {  	s0 =	sadd.s32 $0x8F2B, s0  }
0xbf: {  	[sflag:s0] =	ssyncadd.remote.s32 $0x1  }
0xc0: {  	_ =	sfence.sel $0xFFFF  }
0xc1: {  	[dreg:$0x0] =	wrdreg $0xFFFFFFFF;
	(pc) =	sbr.abs _section_cstart, $3  }
0xc2: {  	[dreg:$0x1] =	wrdreg $0xFFFFFFFF  }
0xc3: {  	_ =	task.clear_ibuf [dreg:s8], $0x2FFFF;
	_ =	strace $0x9FFFFFFF  }
0xc4: {  	(tm) =	ssettm $0x7FFFFFFF  }
0xc5: {  	_ =	shalt  }
tec
execute0_lowered:
.L_overlay_start_1:
0x0: {  	(tag) =	ssettag $0x1  }
0x1: {  	s0 =	rddreg [dreg:$0x0]  }
0x2: {  	s1 =	srdreg.scid;
	s2 =	rddreg [dreg:$0x1]  }
0x3: {  	s9 =	stileid.u32;
	s4 =	rddreg [dreg:$0x2];
	s28 =	simm.s32 $0x5100  }
0x4: {  	s12 =	simm.s32 $0x5900;
	s30 =	simm.s32 $0x6100;
	s14 =	simm.s32 $0x9900  }
0x5: {  	s29 =	simm.s32 $0xC100;
	s31 =	simm.s32 $0x11100;
	s10 =	simm.s32 $0x4  }
0x6: {  	s11 =	simm.s32 $0x5;
	s13 =	simm.s32 $0x6;
	s15 =	simm.s32 $0x7  }
0x7: {  	s16 =	simm.s32 $0x8;
	s1 =	sand.u32 $0x1, s1;
	s3 =	sshll.u32 s9, $0x1  }
0x8: {  	s17 =	simm.s32 $0x9;
	s20 =	smul.u32 $0x83400, s9;
	s5 =	sor.u32 s1, s3  }
0x9: {  	s3 =	simm.s32 $0x0;
	s7 =	ssub.s32 $0x2, s1;
	s1 =	smul.u32 $0x41A00, s1  }
0xa: {  	s9 =	simm.s32 $0x3;
	s6 =	smul.u32 $0x20D0, s5;
	[smem:$0x7FF] =	sst s3  }
0xb: {  	s5 =	smul.u32 $0x20D000, s5;
	s8 =	sshrl.u32 s7, $0x1;
	_ =	strace $0x80000047  }
0xc: {  	s18 =	ssub.s32 s7, s8;
	s7 =	simm.s32 $0x1;
	s8 =	simm.s32 $0x2  }
0xd: {  	s6 =	sshrl.u32 s6, $0x3;
	s5 =	sshrl.u32 s5, $0x3;
	s25 =	smax.u32 s18, $0x1  }
0xe: {  	s18 =	simm.s32 $0xA;
	s0 =	sadd.s32 s6, s0;
	s19 =	sadd.s32 s4, s5  }
0xf: {  	s4 =	sadd.s32 s20, s4;
	[dreg:$0xb] =	wrdreg s25;
	s0 =	sadd.s32 $0x400, s0  }
0x10: {  	s20 =	simm.s32 $0x3900;
	s21 =	sadd.s32 $0x3E800, s19;
	[dreg:$0x5] =	wrdreg s0  }
0x11: {  	s5 =	simm.s32 $0x8100;
	s22 =	sadd.s32 $0x3F200, s19;
	[dreg:$0x6] =	wrdreg s21  }
0x12: {  	s6 =	simm.s32 $0x8900;
	s23 =	sadd.s32 $0x3FC00, s19;
	[dreg:$0x7] =	wrdreg s22  }
0x13: {  	s25 =	simm.s32 $0x16100;
	s24 =	sadd.s32 $0x40600, s19;
	[dreg:$0x8] =	wrdreg s23  }
0x14: {  	s26 =	sadd.s32 s1, s4;
	s1 =	simm.s32 $0x6900;
	[dreg:$0x9] =	wrdreg s24  }
0x15: {  	s4 =	simm.s32 $0x7900;
	s0 =	sadd.s32 $0x41000, s19;
	[dreg:$0x4] =	wrdreg s26  }
0x16: {  	v2 =	vlaneseq.u32;
	s22 =	simm.s32 $0x2100;
	s21 =	simm.s32 $0x2900;
	s23 =	simm.s32 $0x3100  }
0x17: {  	vm0 =	vmmov $0xffff;
	v1 =	vshrl.u32 v2, $0x3;
	s24 =	simm.s32 $0x4100;
	s19 =	simm.s32 $0x0;
	[dreg:$0xa] =	wrdreg s0  }
0x18: {  	v0 =	vand.u32 $0x7, v2;
	v2 =	vor.u32 $0x8, v2;
	v1 =	vmul.u32 $0x8, v1;
	s26 =	simm.s32 $0x4900;
	s0 =	simm.s32 $0x7100;
	[dreg:$0xc] =	wrdreg s19  }
.LBB2_1:
0x19: {  	s19 =	rddreg [dreg:$0x5]  }
0x1a: {  	[tilespmem:s3], [sflag:$0xB] =	stream.linear.gather [hbm4b:s19+s3], $0x20D0, $0x38;
	[tilespmem:$0x1B100] =	vst v63  }
0x1b: {  	s19 =	simm.s32 $0xB  }
0x1c: {  	_ =	swait.ge [sflag:s19], $0x20D0  }
0x1d: {  	[sflag:s19] =	ssyncset.done $0x0  }
0x1e: {  	[sflag:s19] =	ssyncadd.s32 $0xFFFFDF30  }
0x1f: {  	v3 =	vld [tilespmem:$0x0];
	_ =	sdelay $0x4  }
0x20: {  	v4 =	vshll.u32 v3, $0x1  }
0x21: {  	v3 =	vand.u32 $0x7, v3;
	v4 =	vand.u32 $0xFFFFFFF0, v4  }
0x22: {  	v3 =	vor.u32 v3, v4  }
0x23: {  	v4 =	vperm.xlane v3, v0;
	_ =	sdelay $0x1  }
0x24: {  	v3 =	vperm.xlane v3, v2;
	v4 =	vadd.s32 v1, v4;
	_ =	sdelay $0x1  }
0x25: {  	v3 =	vadd.s32 v1, v3;
	_ =	sdelay $0x2  }
0x26: {  	[tilespmem:s22], [sflag:$0x1] =	stream.indirect_vreg.gather [hbm4b:s2+s3], $0x80, v4, vm0, $0xb8;
	[tilespmem:$0x1B100] =	vst v63  }
0x27: {  	_ = 	snop  }
0x28: {  	[tilespmem:s21], [sflag:$0x1] =	stream.indirect_vreg.gather [hbm4b:s2+s3], $0x80, v3, vm0, $0xb8;
	[tilespmem:$0x1B100] =	vst v63  }
0x29: {  	v3 =	vld [tilespmem:$0x10];
	_ =	sdelay $0x4  }
0x2a: {  	v40 =	vshll.u32 v3, $0x1  }
0x2b: {  	v3 =	vand.u32 $0x7, v3;
	v4 =	vand.u32 $0xFFFFFFF0, v40  }
0x2c: {  	v3 =	vor.u32 v3, v4  }
0x2d: {  	v4 =	vperm.xlane v3, v0;
	_ =	sdelay $0x1  }
0x2e: {  	v3 =	vperm.xlane v3, v2;
	v4 =	vadd.s32 v1, v4;
	_ =	sdelay $0x1  }
0x2f: {  	v3 =	vadd.s32 v1, v3;
	_ =	sdelay $0x2  }
0x30: {  	[tilespmem:s23], [sflag:$0x1] =	stream.indirect_vreg.gather [hbm4b:s2+s3], $0x80, v4, vm0, $0xb8;
	[tilespmem:$0x1B100] =	vst v63  }
0x31: {  	_ = 	snop  }
0x32: {  	[tilespmem:s20], [sflag:$0x1] =	stream.indirect_vreg.gather [hbm4b:s2+s3], $0x80, v3, vm0, $0xb8;
	[tilespmem:$0x1B100] =	vst v63  }
0x33: {  	v3 =	vld [tilespmem:$0x20];
	_ =	sdelay $0x4  }
0x34: {  	v41 =	vshll.u32 v3, $0x1  }
0x35: {  	v3 =	vand.u32 $0x7, v3;
	v4 =	vand.u32 $0xFFFFFFF0, v41  }
0x36: {  	v3 =	vor.u32 v3, v4  }
0x37: {  	v4 =	vperm.xlane v3, v0;
	_ =	sdelay $0x1  }
0x38: {  	v3 =	vperm.xlane v3, v2;
	v4 =	vadd.s32 v1, v4;
	_ =	sdelay $0x1  }
0x39: {  	v3 =	vadd.s32 v1, v3;
	_ =	sdelay $0x2  }
0x3a: {  	[tilespmem:s24], [sflag:$0x1] =	stream.indirect_vreg.gather [hbm4b:s2+s3], $0x80, v4, vm0, $0xb8;
	[tilespmem:$0x1B100] =	vst v63  }
0x3b: {  	_ = 	snop  }
0x3c: {  	[tilespmem:s26], [sflag:$0x1] =	stream.indirect_vreg.gather [hbm4b:s2+s3], $0x80, v3, vm0, $0xb8;
	[tilespmem:$0x1B100] =	vst v63  }
0x3d: {  	v3 =	vld [tilespmem:$0x30];
	_ =	sdelay $0x4  }
0x3e: {  	v42 =	vshll.u32 v3, $0x1  }
0x3f: {  	v3 =	vand.u32 $0x7, v3;
	v4 =	vand.u32 $0xFFFFFFF0, v42  }
0x40: {  	v3 =	vor.u32 v3, v4  }
0x41: {  	v4 =	vperm.xlane v3, v0;
	_ =	sdelay $0x1  }
0x42: {  	v3 =	vperm.xlane v3, v2;
	v4 =	vadd.s32 v1, v4;
	_ =	sdelay $0x1  }
0x43: {  	v3 =	vadd.s32 v1, v3;
	_ =	sdelay $0x2  }
0x44: {  	[tilespmem:s28], [sflag:$0x1] =	stream.indirect_vreg.gather [hbm4b:s2+s3], $0x80, v4, vm0, $0xb8;
	[tilespmem:$0x1B100] =	vst v63  }
0x45: {  	_ = 	snop  }
0x46: {  	[tilespmem:s12], [sflag:$0x1] =	stream.indirect_vreg.gather [hbm4b:s2+s3], $0x80, v3, vm0, $0xb8;
	[tilespmem:$0x1B100] =	vst v63  }
0x47: {  	v3 =	vld [tilespmem:$0x40];
	_ =	sdelay $0x4  }
0x48: {  	v43 =	vshll.u32 v3, $0x1  }
0x49: {  	v3 =	vand.u32 $0x7, v3;
	v4 =	vand.u32 $0xFFFFFFF0, v43  }
0x4a: {  	v3 =	vor.u32 v3, v4  }
0x4b: {  	v4 =	vperm.xlane v3, v0;
	_ =	sdelay $0x1  }
0x4c: {  	v3 =	vperm.xlane v3, v2;
	v4 =	vadd.s32 v1, v4;
	_ =	sdelay $0x1  }
0x4d: {  	v3 =	vadd.s32 v1, v3;
	_ =	sdelay $0x2  }
0x4e: {  	[tilespmem:s30], [sflag:$0x1] =	stream.indirect_vreg.gather [hbm4b:s2+s3], $0x80, v4, vm0, $0xb8;
	[tilespmem:$0x1B100] =	vst v63  }
0x4f: {  	_ = 	snop  }
0x50: {  	[tilespmem:s1], [sflag:$0x1] =	stream.indirect_vreg.gather [hbm4b:s2+s3], $0x80, v3, vm0, $0xb8;
	[tilespmem:$0x1B100] =	vst v63  }
0x51: {  	v3 =	vld [tilespmem:$0x50];
	_ =	sdelay $0x4  }
0x52: {  	v44 =	vshll.u32 v3, $0x1  }
0x53: {  	v3 =	vand.u32 $0x7, v3;
	v4 =	vand.u32 $0xFFFFFFF0, v44  }
0x54: {  	v3 =	vor.u32 v3, v4  }
0x55: {  	v4 =	vperm.xlane v3, v0;
	_ =	sdelay $0x1  }
0x56: {  	v3 =	vperm.xlane v3, v2;
	v4 =	vadd.s32 v1, v4;
	_ =	sdelay $0x1  }
0x57: {  	v3 =	vadd.s32 v1, v3;
	_ =	sdelay $0x2  }
0x58: {  	[tilespmem:s0], [sflag:$0x2] =	stream.indirect_vreg.gather [hbm4b:s2+s3], $0x80, v4, vm0, $0xb8;
	[tilespmem:$0x1B100] =	vst v63  }
0x59: {  	_ = 	snop  }
0x5a: {  	[tilespmem:s4], [sflag:$0x2] =	stream.indirect_vreg.gather [hbm4b:s2+s3], $0x80, v3, vm0, $0xb8;
	[tilespmem:$0x1B100] =	vst v63  }
0x5b: {  	v3 =	vld [tilespmem:$0x60];
	_ =	sdelay $0x4  }
0x5c: {  	v45 =	vshll.u32 v3, $0x1  }
0x5d: {  	v3 =	vand.u32 $0x7, v3;
	v4 =	vand.u32 $0xFFFFFFF0, v45  }
0x5e: {  	v3 =	vor.u32 v3, v4  }
0x5f: {  	v4 =	vperm.xlane v3, v0;
	_ =	sdelay $0x1  }
0x60: {  	v3 =	vperm.xlane v3, v2;
	v4 =	vadd.s32 v1, v4;
	_ =	sdelay $0x1  }
0x61: {  	v3 =	vadd.s32 v1, v3;
	_ =	sdelay $0x2  }
0x62: {  	[tilespmem:s5], [sflag:$0x2] =	stream.indirect_vreg.gather [hbm4b:s2+s3], $0x80, v4, vm0, $0xb8;
	[tilespmem:$0x1B100] =	vst v63  }
0x63: {  	_ = 	snop  }
0x64: {  	[tilespmem:s6], [sflag:$0x2] =	stream.indirect_vreg.gather [hbm4b:s2+s3], $0x80, v3, vm0, $0xb8;
	[tilespmem:$0x1B100] =	vst v63  }
0x65: {  	v3 =	vld [tilespmem:$0x70];
	_ =	sdelay $0x4  }
0x66: {  	v46 =	vshll.u32 v3, $0x1  }
0x67: {  	v3 =	vand.u32 $0x7, v3;
	v4 =	vand.u32 $0xFFFFFFF0, v46  }
0x68: {  	v3 =	vor.u32 v3, v4  }
0x69: {  	v4 =	vperm.xlane v3, v0;
	_ =	sdelay $0x1  }
0x6a: {  	v3 =	vperm.xlane v3, v2;
	v4 =	vadd.s32 v1, v4;
	_ =	sdelay $0x1  }
0x6b: {  	v3 =	vadd.s32 v1, v3;
	_ =	sdelay $0x1  }
0x6c: {  	s1 =	simm.s32 $0x9100  }
0x6d: {  	[tilespmem:s1], [sflag:$0x2] =	stream.indirect_vreg.gather [hbm4b:s2+s3], $0x80, v4, vm0, $0xb8;
	[tilespmem:$0x1B100] =	vst v63  }
0x6e: {  	_ = 	snop  }
0x6f: {  	[tilespmem:s14], [sflag:$0x2] =	stream.indirect_vreg.gather [hbm4b:s2+s3], $0x80, v3, vm0, $0xb8;
	[tilespmem:$0x1B100] =	vst v63  }
0x70: {  	v3 =	vld [tilespmem:$0x80];
	_ =	sdelay $0x4  }
0x71: {  	v47 =	vshll.u32 v3, $0x1  }
0x72: {  	v3 =	vand.u32 $0x7, v3;
	v4 =	vand.u32 $0xFFFFFFF0, v47  }
0x73: {  	v3 =	vor.u32 v3, v4  }
0x74: {  	v4 =	vperm.xlane v3, v0;
	_ =	sdelay $0x1  }
0x75: {  	v3 =	vperm.xlane v3, v2;
	v4 =	vadd.s32 v1, v4;
	_ =	sdelay $0x1  }
0x76: {  	v3 =	vadd.s32 v1, v3;
	_ =	sdelay $0x1  }
0x77: {  	s4 =	simm.s32 $0xA100  }
0x78: {  	[tilespmem:s4], [sflag:$0x2] =	stream.indirect_vreg.gather [hbm4b:s2+s3], $0x80, v4, vm0, $0xb8;
	[tilespmem:$0x1B100] =	vst v63  }
0x79: {  	s5 =	simm.s32 $0xA900  }
0x7a: {  	[tilespmem:s5], [sflag:$0x2] =	stream.indirect_vreg.gather [hbm4b:s2+s3], $0x80, v3, vm0, $0xb8;
	[tilespmem:$0x1B100] =	vst v63  }
0x7b: {  	v3 =	vld [tilespmem:$0x90];
	_ =	sdelay $0x4  }
0x7c: {  	v48 =	vshll.u32 v3, $0x1  }
0x7d: {  	v3 =	vand.u32 $0x7, v3;
	v4 =	vand.u32 $0xFFFFFFF0, v48  }
0x7e: {  	v3 =	vor.u32 v3, v4  }
0x7f: {  	v4 =	vperm.xlane v3, v0;
	_ =	sdelay $0x1  }
0x80: {  	v3 =	vperm.xlane v3, v2;
	v4 =	vadd.s32 v1, v4;
	_ =	sdelay $0x1  }
0x81: {  	v3 =	vadd.s32 v1, v3;
	_ =	sdelay $0x1  }
0x82: {  	s6 =	simm.s32 $0xB100  }
0x83: {  	[tilespmem:s6], [sflag:$0x2] =	stream.indirect_vreg.gather [hbm4b:s2+s3], $0x80, v4, vm0, $0xb8;
	[tilespmem:$0x1B100] =	vst v63  }
0x84: {  	s12 =	simm.s32 $0xB900  }
0x85: {  	[tilespmem:s12], [sflag:$0x2] =	stream.indirect_vreg.gather [hbm4b:s2+s3], $0x80, v3, vm0, $0xb8;
	[tilespmem:$0x1B100] =	vst v63  }
0x86: {  	v3 =	vld [tilespmem:$0xA0];
	_ =	sdelay $0x4  }
0x87: {  	v49 =	vshll.u32 v3, $0x1  }
0x88: {  	v3 =	vand.u32 $0x7, v3;
	v4 =	vand.u32 $0xFFFFFFF0, v49  }
0x89: {  	v3 =	vor.u32 v3, v4  }
0x8a: {  	v4 =	vperm.xlane v3, v0;
	_ =	sdelay $0x1  }
0x8b: {  	v3 =	vperm.xlane v3, v2;
	v4 =	vadd.s32 v1, v4;
	_ =	sdelay $0x1  }
0x8c: {  	v3 =	vadd.s32 v1, v3;
	_ =	sdelay $0x2  }
0x8d: {  	[tilespmem:s29], [sflag:$0x3] =	stream.indirect_vreg.gather [hbm4b:s2+s3], $0x80, v4, vm0, $0xb8;
	[tilespmem:$0x1B100] =	vst v63  }
0x8e: {  	s14 =	simm.s32 $0xC900  }
0x8f: {  	[tilespmem:s14], [sflag:$0x3] =	stream.indirect_vreg.gather [hbm4b:s2+s3], $0x80, v3, vm0, $0xb8;
	[tilespmem:$0x1B100] =	vst v63  }
0x90: {  	v3 =	vld [tilespmem:$0xB0];
	_ =	sdelay $0x4  }
0x91: {  	v50 =	vshll.u32 v3, $0x1  }
0x92: {  	v3 =	vand.u32 $0x7, v3;
	v4 =	vand.u32 $0xFFFFFFF0, v50  }
0x93: {  	v3 =	vor.u32 v3, v4  }
0x94: {  	v4 =	vperm.xlane v3, v0;
	_ =	sdelay $0x1  }
0x95: {  	v3 =	vperm.xlane v3, v2;
	v4 =	vadd.s32 v1, v4;
	_ =	sdelay $0x1  }
0x96: {  	v3 =	vadd.s32 v1, v3;
	_ =	sdelay $0x1  }
0x97: {  	s19 =	simm.s32 $0xD100  }
0x98: {  	[tilespmem:s19], [sflag:$0x3] =	stream.indirect_vreg.gather [hbm4b:s2+s3], $0x80, v4, vm0, $0xb8;
	[tilespmem:$0x1B100] =	vst v63  }
0x99: {  	s20 =	simm.s32 $0xD900  }
0x9a: {  	[tilespmem:s20], [sflag:$0x3] =	stream.indirect_vreg.gather [hbm4b:s2+s3], $0x80, v3, vm0, $0xb8;
	[tilespmem:$0x1B100] =	vst v63  }
0x9b: {  	v3 =	vld [tilespmem:$0xC0];
	_ =	sdelay $0x4  }
0x9c: {  	v51 =	vshll.u32 v3, $0x1  }
0x9d: {  	v3 =	vand.u32 $0x7, v3;
	v4 =	vand.u32 $0xFFFFFFF0, v51  }
0x9e: {  	v3 =	vor.u32 v3, v4  }
0x9f: {  	v4 =	vperm.xlane v3, v0;
	_ =	sdelay $0x1  }
0xa0: {  	v3 =	vperm.xlane v3, v2;
	v4 =	vadd.s32 v1, v4;
	_ =	sdelay $0x1  }
0xa1: {  	v3 =	vadd.s32 v1, v3;
	_ =	sdelay $0x1  }
0xa2: {  	s21 =	simm.s32 $0xE100  }
0xa3: {  	[tilespmem:s21], [sflag:$0x3] =	stream.indirect_vreg.gather [hbm4b:s2+s3], $0x80, v4, vm0, $0xb8;
	[tilespmem:$0x1B100] =	vst v63  }
0xa4: {  	s22 =	simm.s32 $0xE900  }
0xa5: {  	[tilespmem:s22], [sflag:$0x3] =	stream.indirect_vreg.gather [hbm4b:s2+s3], $0x80, v3, vm0, $0xb8;
	[tilespmem:$0x1B100] =	vst v63  }
0xa6: {  	v3 =	vld [tilespmem:$0xD0];
	_ =	sdelay $0x4  }
0xa7: {  	v52 =	vshll.u32 v3, $0x1  }
0xa8: {  	v3 =	vand.u32 $0x7, v3;
	v4 =	vand.u32 $0xFFFFFFF0, v52  }
0xa9: {  	v3 =	vor.u32 v3, v4  }
0xaa: {  	v4 =	vperm.xlane v3, v0;
	_ =	sdelay $0x1  }
0xab: {  	v3 =	vperm.xlane v3, v2;
	v4 =	vadd.s32 v1, v4;
	_ =	sdelay $0x1  }
0xac: {  	v3 =	vadd.s32 v1, v3;
	_ =	sdelay $0x1  }
0xad: {  	s23 =	simm.s32 $0xF100  }
0xae: {  	[tilespmem:s23], [sflag:$0x3] =	stream.indirect_vreg.gather [hbm4b:s2+s3], $0x80, v4, vm0, $0xb8;
	[tilespmem:$0x1B100] =	vst v63  }
0xaf: {  	s24 =	simm.s32 $0xF900  }
0xb0: {  	[tilespmem:s24], [sflag:$0x3] =	stream.indirect_vreg.gather [hbm4b:s2+s3], $0x80, v3, vm0, $0xb8;
	[tilespmem:$0x1B100] =	vst v63  }
0xb1: {  	v3 =	vld [tilespmem:$0xE0];
	_ =	sdelay $0x4  }
0xb2: {  	v53 =	vshll.u32 v3, $0x1  }
0xb3: {  	v3 =	vand.u32 $0x7, v3;
	v4 =	vand.u32 $0xFFFFFFF0, v53  }
0xb4: {  	v3 =	vor.u32 v3, v4  }
0xb5: {  	v4 =	vperm.xlane v3, v0;
	_ =	sdelay $0x1  }
0xb6: {  	v3 =	vperm.xlane v3, v2;
	v4 =	vadd.s32 v1, v4;
	_ =	sdelay $0x1  }
0xb7: {  	v3 =	vadd.s32 v1, v3;
	_ =	sdelay $0x1  }
0xb8: {  	s26 =	simm.s32 $0x10100  }
0xb9: {  	[tilespmem:s26], [sflag:$0x3] =	stream.indirect_vreg.gather [hbm4b:s2+s3], $0x80, v4, vm0, $0xb8;
	[tilespmem:$0x1B100] =	vst v63  }
0xba: {  	s29 =	simm.s32 $0x10900  }
0xbb: {  	[tilespmem:s29], [sflag:$0x3] =	stream.indirect_vreg.gather [hbm4b:s2+s3], $0x80, v3, vm0, $0xb8;
	[tilespmem:$0x1B100] =	vst v63  }
0xbc: {  	v3 =	vld [tilespmem:$0xF0];
	_ =	sdelay $0x4  }
0xbd: {  	v54 =	vshll.u32 v3, $0x1  }
0xbe: {  	v3 =	vand.u32 $0x7, v3;
	v4 =	vand.u32 $0xFFFFFFF0, v54  }
0xbf: {  	v3 =	vor.u32 v3, v4  }
0xc0: {  	v4 =	vperm.xlane v3, v0;
	_ =	sdelay $0x1  }
0xc1: {  	v3 =	vperm.xlane v3, v2;
	v4 =	vadd.s32 v1, v4;
	_ =	sdelay $0x1  }
0xc2: {  	v3 =	vadd.s32 v1, v3;
	_ =	sdelay $0x2  }
0xc3: {  	[tilespmem:s31], [sflag:$0x4] =	stream.indirect_vreg.gather [hbm4b:s2+s3], $0x80, v4, vm0, $0xb8;
	[tilespmem:$0x1B100] =	vst v63  }
0xc4: {  	s31 =	simm.s32 $0x11900  }
0xc5: {  	[tilespmem:s31], [sflag:$0x4] =	stream.indirect_vreg.gather [hbm4b:s2+s3], $0x80, v3, vm0, $0xb8;
	[tilespmem:$0x1B100] =	vst v63  }
0xc6: {  	v3 =	vld [tilespmem:$0x100];
	_ =	sdelay $0x4  }
0xc7: {  	v55 =	vshll.u32 v3, $0x1  }
0xc8: {  	v3 =	vand.u32 $0x7, v3;
	v4 =	vand.u32 $0xFFFFFFF0, v55  }
0xc9: {  	v3 =	vor.u32 v3, v4  }
0xca: {  	v4 =	vperm.xlane v3, v0;
	_ =	sdelay $0x1  }
0xcb: {  	v3 =	vperm.xlane v3, v2;
	v4 =	vadd.s32 v1, v4;
	_ =	sdelay $0x1  }
0xcc: {  	v3 =	vadd.s32 v1, v3;
	_ =	sdelay $0x1  }
0xcd: {  	s1 =	simm.s32 $0x12100  }
0xce: {  	[tilespmem:s1], [sflag:$0x4] =	stream.indirect_vreg.gather [hbm4b:s2+s3], $0x80, v4, vm0, $0xb8;
	[tilespmem:$0x1B100] =	vst v63  }
0xcf: {  	s4 =	simm.s32 $0x12900  }
0xd0: {  	[tilespmem:s4], [sflag:$0x4] =	stream.indirect_vreg.gather [hbm4b:s2+s3], $0x80, v3, vm0, $0xb8;
	[tilespmem:$0x1B100] =	vst v63  }
0xd1: {  	v3 =	vld [tilespmem:$0x110];
	_ =	sdelay $0x4  }
0xd2: {  	v56 =	vshll.u32 v3, $0x1  }
0xd3: {  	v3 =	vand.u32 $0x7, v3;
	v4 =	vand.u32 $0xFFFFFFF0, v56  }
0xd4: {  	v3 =	vor.u32 v3, v4  }
0xd5: {  	v4 =	vperm.xlane v3, v0;
	_ =	sdelay $0x1  }
0xd6: {  	v3 =	vperm.xlane v3, v2;
	v4 =	vadd.s32 v1, v4;
	_ =	sdelay $0x1  }
0xd7: {  	v3 =	vadd.s32 v1, v3;
	_ =	sdelay $0x1  }
0xd8: {  	s5 =	simm.s32 $0x13100  }
0xd9: {  	[tilespmem:s5], [sflag:$0x4] =	stream.indirect_vreg.gather [hbm4b:s2+s3], $0x80, v4, vm0, $0xb8;
	[tilespmem:$0x1B100] =	vst v63  }
0xda: {  	s6 =	simm.s32 $0x13900  }
0xdb: {  	[tilespmem:s6], [sflag:$0x4] =	stream.indirect_vreg.gather [hbm4b:s2+s3], $0x80, v3, vm0, $0xb8;
	[tilespmem:$0x1B100] =	vst v63  }
0xdc: {  	v3 =	vld [tilespmem:$0x120];
	_ =	sdelay $0x4  }
0xdd: {  	v57 =	vshll.u32 v3, $0x1  }
0xde: {  	v3 =	vand.u32 $0x7, v3;
	v4 =	vand.u32 $0xFFFFFFF0, v57  }
0xdf: {  	v3 =	vor.u32 v3, v4  }
0xe0: {  	v4 =	vperm.xlane v3, v0;
	_ =	sdelay $0x1  }
0xe1: {  	v3 =	vperm.xlane v3, v2;
	v4 =	vadd.s32 v1, v4;
	_ =	sdelay $0x1  }
0xe2: {  	v3 =	vadd.s32 v1, v3;
	_ =	sdelay $0x1  }
0xe3: {  	s12 =	simm.s32 $0x14100  }
0xe4: {  	[tilespmem:s12], [sflag:$0x4] =	stream.indirect_vreg.gather [hbm4b:s2+s3], $0x80, v4, vm0, $0xb8;
	[tilespmem:$0x1B100] =	vst v63  }
0xe5: {  	s14 =	simm.s32 $0x14900  }
0xe6: {  	[tilespmem:s14], [sflag:$0x4] =	stream.indirect_vreg.gather [hbm4b:s2+s3], $0x80, v3, vm0, $0xb8;
	[tilespmem:$0x1B100] =	vst v63  }
0xe7: {  	v3 =	vld [tilespmem:$0x130];
	_ =	sdelay $0x4  }
0xe8: {  	v58 =	vshll.u32 v3, $0x1  }
0xe9: {  	v3 =	vand.u32 $0x7, v3;
	v4 =	vand.u32 $0xFFFFFFF0, v58  }
0xea: {  	v3 =	vor.u32 v3, v4  }
0xeb: {  	v4 =	vperm.xlane v3, v0;
	_ =	sdelay $0x1  }
0xec: {  	v3 =	vperm.xlane v3, v2;
	v4 =	vadd.s32 v1, v4;
	_ =	sdelay $0x1  }
0xed: {  	v3 =	vadd.s32 v1, v3;
	_ =	sdelay $0x1  }
0xee: {  	s19 =	simm.s32 $0x15100  }
0xef: {  	[tilespmem:s19], [sflag:$0x4] =	stream.indirect_vreg.gather [hbm4b:s2+s3], $0x80, v4, vm0, $0xb8;
	[tilespmem:$0x1B100] =	vst v63  }
0xf0: {  	s20 =	simm.s32 $0x15900  }
0xf1: {  	[tilespmem:s20], [sflag:$0x4] =	stream.indirect_vreg.gather [hbm4b:s2+s3], $0x80, v3, vm0, $0xb8;
	[tilespmem:$0x1B100] =	vst v63  }
0xf2: {  	v3 =	vld [tilespmem:$0x140];
	_ =	sdelay $0x4  }
0xf3: {  	v59 =	vshll.u32 v3, $0x1  }
0xf4: {  	v3 =	vand.u32 $0x7, v3;
	v4 =	vand.u32 $0xFFFFFFF0, v59  }
0xf5: {  	v3 =	vor.u32 v3, v4  }
0xf6: {  	v4 =	vperm.xlane v3, v0;
	_ =	sdelay $0x1  }
0xf7: {  	v3 =	vperm.xlane v3, v2;
	v4 =	vadd.s32 v1, v4;
	_ =	sdelay $0x1  }
0xf8: {  	v3 =	vadd.s32 v1, v3;
	_ =	sdelay $0x2  }
0xf9: {  	[tilespmem:s25], [sflag:$0x5] =	stream.indirect_vreg.gather [hbm4b:s2+s3], $0x80, v4, vm0, $0xb8;
	[tilespmem:$0x1B100] =	vst v63  }
0xfa: {  	s21 =	simm.s32 $0x16900  }
0xfb: {  	[tilespmem:s21], [sflag:$0x5] =	stream.indirect_vreg.gather [hbm4b:s2+s3], $0x80, v3, vm0, $0xb8;
	[tilespmem:$0x1B100] =	vst v63  }
0xfc: {  	v3 =	vld [tilespmem:$0x150];
	_ =	sdelay $0x4  }
0xfd: {  	v60 =	vshll.u32 v3, $0x1  }
0xfe: {  	v3 =	vand.u32 $0x7, v3;
	v4 =	vand.u32 $0xFFFFFFF0, v60  }
0xff: {  	v3 =	vor.u32 v3, v4  }
0x100: {  	v4 =	vperm.xlane v3, v0;
	_ =	sdelay $0x1  }
0x101: {  	v3 =	vperm.xlane v3, v2;
	v4 =	vadd.s32 v1, v4;
	_ =	sdelay $0x1  }
0x102: {  	v3 =	vadd.s32 v1, v3;
	_ =	sdelay $0x1  }
0x103: {  	s22 =	simm.s32 $0x17100  }
0x104: {  	[tilespmem:s22], [sflag:$0x5] =	stream.indirect_vreg.gather [hbm4b:s2+s3], $0x80, v4, vm0, $0xb8;
	[tilespmem:$0x1B100] =	vst v63  }
0x105: {  	s23 =	simm.s32 $0x17900  }
0x106: {  	[tilespmem:s23], [sflag:$0x5] =	stream.indirect_vreg.gather [hbm4b:s2+s3], $0x80, v3, vm0, $0xb8;
	[tilespmem:$0x1B100] =	vst v63  }
0x107: {  	v3 =	vld [tilespmem:$0x160];
	_ =	sdelay $0x4  }
0x108: {  	v61 =	vshll.u32 v3, $0x1  }
0x109: {  	v3 =	vand.u32 $0x7, v3;
	v4 =	vand.u32 $0xFFFFFFF0, v61  }
0x10a: {  	v3 =	vor.u32 v3, v4  }
0x10b: {  	v4 =	vperm.xlane v3, v0;
	_ =	sdelay $0x1  }
0x10c: {  	v3 =	vperm.xlane v3, v2;
	v4 =	vadd.s32 v1, v4;
	_ =	sdelay $0x1  }
0x10d: {  	v3 =	vadd.s32 v1, v3;
	_ =	sdelay $0x1  }
0x10e: {  	s24 =	simm.s32 $0x18100  }
0x10f: {  	[tilespmem:s24], [sflag:$0x5] =	stream.indirect_vreg.gather [hbm4b:s2+s3], $0x80, v4, vm0, $0xb8;
	[tilespmem:$0x1B100] =	vst v63  }
0x110: {  	s26 =	simm.s32 $0x18900  }
0x111: {  	[tilespmem:s26], [sflag:$0x5] =	stream.indirect_vreg.gather [hbm4b:s2+s3], $0x80, v3, vm0, $0xb8;
	[tilespmem:$0x1B100] =	vst v63  }
0x112: {  	v3 =	vld [tilespmem:$0x170];
	_ =	sdelay $0x4  }
0x113: {  	v62 =	vshll.u32 v3, $0x1  }
0x114: {  	v3 =	vand.u32 $0x7, v3;
	v4 =	vand.u32 $0xFFFFFFF0, v62  }
0x115: {  	v3 =	vor.u32 v3, v4  }
0x116: {  	v4 =	vperm.xlane v3, v0;
	_ =	sdelay $0x1  }
0x117: {  	v3 =	vperm.xlane v3, v2;
	v4 =	vadd.s32 v1, v4;
	_ =	sdelay $0x1  }
0x118: {  	v3 =	vadd.s32 v1, v3;
	_ =	sdelay $0x1  }
0x119: {  	s29 =	simm.s32 $0x19100  }
0x11a: {  	[tilespmem:s29], [sflag:$0x5] =	stream.indirect_vreg.gather [hbm4b:s2+s3], $0x80, v4, vm0, $0xb8;
	[tilespmem:$0x1B100] =	vst v63  }
0x11b: {  	s31 =	simm.s32 $0x19900  }
0x11c: {  	[tilespmem:s31], [sflag:$0x5] =	stream.indirect_vreg.gather [hbm4b:s2+s3], $0x80, v3, vm0, $0xb8;
	[tilespmem:$0x1B100] =	vst v63  }
0x11d: {  	v3 =	vld [tilespmem:$0x180];
	_ =	sdelay $0x4  }
0x11e: {  	v63 =	vshll.u32 v3, $0x1  }
0x11f: {  	v3 =	vand.u32 $0x7, v3;
	v4 =	vand.u32 $0xFFFFFFF0, v63  }
0x120: {  	v3 =	vor.u32 v3, v4  }
0x121: {  	v4 =	vperm.xlane v3, v0;
	_ =	sdelay $0x1  }
0x122: {  	v3 =	vperm.xlane v3, v2;
	v4 =	vadd.s32 v1, v4;
	_ =	sdelay $0x1  }
0x123: {  	s28 =	simm.s32 $0x1A900;
	v3 =	vadd.s32 v1, v3  }
0x124: {  	s30 =	simm.s32 $0x5900;
	s4 =	simm.s32 $0x7900;
	s5 =	simm.s32 $0x8100  }
0x125: {  	s6 =	simm.s32 $0x8900;
	s12 =	simm.s32 $0x9100;
	s24 =	simm.s32 $0x1A100  }
0x126: {  	[tilespmem:s24], [sflag:$0x5] =	stream.indirect_vreg.gather [hbm4b:s2+s3], $0x80, v4, vm0, $0xb8;
	[tilespmem:$0x1B100] =	vst v63  }
0x127: {  	s19 =	simm.s32 $0x310;
	s20 =	simm.s32 $0x0;
	s26 =	simm.s32 $0xA100  }
0x128: {  	[tilespmem:s28], [sflag:$0x5] =	stream.indirect_vreg.gather [hbm4b:s2+s3], $0x80, v3, vm0, $0xb8;
	[tilespmem:$0x1B100] =	vst v63  }
.LBB2_2:
0x129: {  	_ =	swait.ge [sflag:s7], $0x5000  }
0x12a: {  	s21 =	rddreg [dreg:$0x4];
	[sflag:s7] =	ssyncset.done $0x0  }
0x12b: {  	s0 =	simm.s32 $0x2100;
	[sflag:s7] =	ssyncadd.s32 $0xFFFFB000;
	s21 =	sadd.s32 s20, s21  }
0x12c: {  	[hbm4b:s21+s3] =	stream.linear.scatter [tilespmem:s0], [sflag:$0x6], $0x5000, $0x38;
	[tilespmem:$0x1B100] =	vst v63  }
0x12d: {  	_ =	swait.ge [sflag:s8], $0x5000  }
0x12e: {  	[sflag:s8] =	ssyncset.done $0x0  }
0x12f: {  	s14 =	simm.s32 $0x7100;
	s23 =	sadd.s32 $0xA00, s21;
	[sflag:s8] =	ssyncadd.s32 $0xFFFFB000  }
0x130: {  	[hbm4b:s23+s3] =	stream.linear.scatter [tilespmem:s14], [sflag:$0x7], $0x5000, $0x38;
	[tilespmem:$0x1B100] =	vst v63  }
0x131: {  	_ =	swait.ge [sflag:s9], $0x5000  }
0x132: {  	[sflag:s9] =	ssyncset.done $0x0  }
0x133: {  	s31 =	simm.s32 $0xC100;
	s1 =	sadd.s32 $0x1400, s21;
	[sflag:s9] =	ssyncadd.s32 $0xFFFFB000  }
0x134: {  	[hbm4b:s1+s3] =	stream.linear.scatter [tilespmem:s31], [sflag:$0x8], $0x5000, $0x38;
	[tilespmem:$0x1B100] =	vst v63  }
0x135: {  	_ =	swait.ge [sflag:s10], $0x5000  }
0x136: {  	[sflag:s10] =	ssyncset.done $0x0  }
0x137: {  	s22 =	sadd.s32 $0x1E00, s21;
	s1 =	simm.s32 $0x11100;
	[sflag:s10] =	ssyncadd.s32 $0xFFFFB000  }
0x138: {  	[hbm4b:s22+s3] =	stream.linear.scatter [tilespmem:s1], [sflag:$0x9], $0x5000, $0x38;
	[tilespmem:$0x1B100] =	vst v63  }
0x139: {  	_ =	swait.ge [sflag:s11], $0x5000  }
0x13a: {  	[sflag:s11] =	ssyncset.done $0x0  }
0x13b: {  	s21 =	sadd.s32 $0x2800, s21;
	[sflag:s11] =	ssyncadd.s32 $0xFFFFB000  }
0x13c: {  	[hbm4b:s21+s3] =	stream.linear.scatter [tilespmem:s25], [sflag:$0xA], $0x5000, $0x38;
	[tilespmem:$0x1B100] =	vst v63  }
0x13d: {  	_ =	swait.ge [sflag:s13], $0x5000  }
0x13e: {  	[sflag:s13] =	ssyncset.done $0x0  }
0x13f: {  	[sflag:s13] =	ssyncadd.s32 $0xFFFFB000  }
0x140: {  	v3 =	vld [tilespmem:s19+$0xFFFFFE80];
	_ =	sdelay $0x4  }
0x141: {  	v4 =	vshll.u32 v3, $0x1  }
0x142: {  	v3 =	vand.u32 $0x7, v3;
	v4 =	vand.u32 $0xFFFFFFF0, v4  }
0x143: {  	v3 =	vor.u32 v3, v4  }
0x144: {  	v4 =	vperm.xlane v3, v0;
	_ =	sdelay $0x1  }
0x145: {  	v3 =	vperm.xlane v3, v2;
	v4 =	vadd.s32 v1, v4;
	_ =	sdelay $0x1  }
0x146: {  	v3 =	vadd.s32 v1, v3;
	_ =	sdelay $0x2  }
0x147: {  	[tilespmem:s0], [sflag:$0x1] =	stream.indirect_vreg.gather [hbm4b:s2+s3], $0x80, v4, vm0, $0xb8;
	[tilespmem:$0x1B100] =	vst v63  }
0x148: {  	s21 =	simm.s32 $0x2900  }
0x149: {  	[tilespmem:s21], [sflag:$0x1] =	stream.indirect_vreg.gather [hbm4b:s2+s3], $0x80, v3, vm0, $0xb8;
	[tilespmem:$0x1B100] =	vst v63  }
0x14a: {  	v3 =	vld [tilespmem:s19+$0xFFFFFE90];
	_ =	sdelay $0x4  }
0x14b: {  	v40 =	vshll.u32 v3, $0x1  }
0x14c: {  	v3 =	vand.u32 $0x7, v3;
	v4 =	vand.u32 $0xFFFFFFF0, v40  }
0x14d: {  	v3 =	vor.u32 v3, v4  }
0x14e: {  	v4 =	vperm.xlane v3, v0;
	_ =	sdelay $0x1  }
0x14f: {  	v3 =	vperm.xlane v3, v2;
	v4 =	vadd.s32 v1, v4;
	_ =	sdelay $0x1  }
0x150: {  	v3 =	vadd.s32 v1, v3;
	_ =	sdelay $0x1  }
0x151: {  	s23 =	simm.s32 $0x3100  }
0x152: {  	[tilespmem:s23], [sflag:$0x1] =	stream.indirect_vreg.gather [hbm4b:s2+s3], $0x80, v4, vm0, $0xb8;
	[tilespmem:$0x1B100] =	vst v63  }
0x153: {  	s0 =	simm.s32 $0x3900  }
0x154: {  	[tilespmem:s0], [sflag:$0x1] =	stream.indirect_vreg.gather [hbm4b:s2+s3], $0x80, v3, vm0, $0xb8;
	[tilespmem:$0x1B100] =	vst v63  }
0x155: {  	v3 =	vld [tilespmem:s19+$0xFFFFFEA0];
	_ =	sdelay $0x4  }
0x156: {  	v41 =	vshll.u32 v3, $0x1  }
0x157: {  	v3 =	vand.u32 $0x7, v3;
	v4 =	vand.u32 $0xFFFFFFF0, v41  }
0x158: {  	v3 =	vor.u32 v3, v4  }
0x159: {  	v4 =	vperm.xlane v3, v0;
	_ =	sdelay $0x1  }
0x15a: {  	v3 =	vperm.xlane v3, v2;
	v4 =	vadd.s32 v1, v4;
	_ =	sdelay $0x1  }
0x15b: {  	v3 =	vadd.s32 v1, v3;
	_ =	sdelay $0x1  }
0x15c: {  	s0 =	simm.s32 $0x4100  }
0x15d: {  	[tilespmem:s0], [sflag:$0x1] =	stream.indirect_vreg.gather [hbm4b:s2+s3], $0x80, v4, vm0, $0xb8;
	[tilespmem:$0x1B100] =	vst v63  }
0x15e: {  	s0 =	simm.s32 $0x4900  }
0x15f: {  	[tilespmem:s0], [sflag:$0x1] =	stream.indirect_vreg.gather [hbm4b:s2+s3], $0x80, v3, vm0, $0xb8;
	[tilespmem:$0x1B100] =	vst v63  }
0x160: {  	v3 =	vld [tilespmem:s19+$0xFFFFFEB0];
	_ =	sdelay $0x4  }
0x161: {  	v42 =	vshll.u32 v3, $0x1  }
0x162: {  	v3 =	vand.u32 $0x7, v3;
	v4 =	vand.u32 $0xFFFFFFF0, v42  }
0x163: {  	v3 =	vor.u32 v3, v4  }
0x164: {  	v4 =	vperm.xlane v3, v0;
	_ =	sdelay $0x1  }
0x165: {  	v3 =	vperm.xlane v3, v2;
	v4 =	vadd.s32 v1, v4;
	_ =	sdelay $0x1  }
0x166: {  	v3 =	vadd.s32 v1, v3;
	_ =	sdelay $0x1  }
0x167: {  	s0 =	simm.s32 $0x5100  }
0x168: {  	[tilespmem:s0], [sflag:$0x1] =	stream.indirect_vreg.gather [hbm4b:s2+s3], $0x80, v4, vm0, $0xb8;
	[tilespmem:$0x1B100] =	vst v63  }
0x169: {  	_ = 	snop  }
0x16a: {  	[tilespmem:s30], [sflag:$0x1] =	stream.indirect_vreg.gather [hbm4b:s2+s3], $0x80, v3, vm0, $0xb8;
	[tilespmem:$0x1B100] =	vst v63  }
0x16b: {  	v3 =	vld [tilespmem:s19+$0xFFFFFEC0];
	_ =	sdelay $0x4  }
0x16c: {  	v43 =	vshll.u32 v3, $0x1  }
0x16d: {  	v3 =	vand.u32 $0x7, v3;
	v4 =	vand.u32 $0xFFFFFFF0, v43  }
0x16e: {  	v3 =	vor.u32 v3, v4  }
0x16f: {  	v4 =	vperm.xlane v3, v0;
	_ =	sdelay $0x1  }
0x170: {  	v3 =	vperm.xlane v3, v2;
	v4 =	vadd.s32 v1, v4;
	_ =	sdelay $0x1  }
0x171: {  	v3 =	vadd.s32 v1, v3;
	_ =	sdelay $0x1  }
0x172: {  	s0 =	simm.s32 $0x6100  }
0x173: {  	[tilespmem:s0], [sflag:$0x1] =	stream.indirect_vreg.gather [hbm4b:s2+s3], $0x80, v4, vm0, $0xb8;
	[tilespmem:$0x1B100] =	vst v63  }
0x174: {  	s0 =	simm.s32 $0x6900  }
0x175: {  	[tilespmem:s0], [sflag:$0x1] =	stream.indirect_vreg.gather [hbm4b:s2+s3], $0x80, v3, vm0, $0xb8;
	[tilespmem:$0x1B100] =	vst v63  }
0x176: {  	_ =	swait.ge [sflag:s15], $0x5000  }
0x177: {  	[sflag:s15] =	ssyncset.done $0x0  }
0x178: {  	[sflag:s15] =	ssyncadd.s32 $0xFFFFB000  }
0x179: {  	v3 =	vld [tilespmem:s19+$0xFFFFFED0];
	_ =	sdelay $0x4  }
0x17a: {  	v44 =	vshll.u32 v3, $0x1  }
0x17b: {  	v3 =	vand.u32 $0x7, v3;
	v4 =	vand.u32 $0xFFFFFFF0, v44  }
0x17c: {  	v3 =	vor.u32 v3, v4  }
0x17d: {  	v4 =	vperm.xlane v3, v0;
	_ =	sdelay $0x1  }
0x17e: {  	v3 =	vperm.xlane v3, v2;
	v4 =	vadd.s32 v1, v4;
	_ =	sdelay $0x1  }
0x17f: {  	v3 =	vadd.s32 v1, v3;
	_ =	sdelay $0x2  }
0x180: {  	[tilespmem:s14], [sflag:$0x2] =	stream.indirect_vreg.gather [hbm4b:s2+s3], $0x80, v4, vm0, $0xb8;
	[tilespmem:$0x1B100] =	vst v63  }
0x181: {  	_ = 	snop  }
0x182: {  	[tilespmem:s4], [sflag:$0x2] =	stream.indirect_vreg.gather [hbm4b:s2+s3], $0x80, v3, vm0, $0xb8;
	[tilespmem:$0x1B100] =	vst v63  }
0x183: {  	v3 =	vld [tilespmem:s19+$0xFFFFFEE0];
	_ =	sdelay $0x4  }
0x184: {  	v45 =	vshll.u32 v3, $0x1  }
0x185: {  	v3 =	vand.u32 $0x7, v3;
	v4 =	vand.u32 $0xFFFFFFF0, v45  }
0x186: {  	v3 =	vor.u32 v3, v4  }
0x187: {  	v4 =	vperm.xlane v3, v0;
	_ =	sdelay $0x1  }
0x188: {  	v3 =	vperm.xlane v3, v2;
	v4 =	vadd.s32 v1, v4;
	_ =	sdelay $0x1  }
0x189: {  	v3 =	vadd.s32 v1, v3;
	_ =	sdelay $0x2  }
0x18a: {  	[tilespmem:s5], [sflag:$0x2] =	stream.indirect_vreg.gather [hbm4b:s2+s3], $0x80, v4, vm0, $0xb8;
	[tilespmem:$0x1B100] =	vst v63  }
0x18b: {  	_ = 	snop  }
0x18c: {  	[tilespmem:s6], [sflag:$0x2] =	stream.indirect_vreg.gather [hbm4b:s2+s3], $0x80, v3, vm0, $0xb8;
	[tilespmem:$0x1B100] =	vst v63  }
0x18d: {  	v3 =	vld [tilespmem:s19+$0xFFFFFEF0];
	_ =	sdelay $0x4  }
0x18e: {  	v46 =	vshll.u32 v3, $0x1  }
0x18f: {  	v3 =	vand.u32 $0x7, v3;
	v4 =	vand.u32 $0xFFFFFFF0, v46  }
0x190: {  	v3 =	vor.u32 v3, v4  }
0x191: {  	v4 =	vperm.xlane v3, v0;
	_ =	sdelay $0x1  }
0x192: {  	v3 =	vperm.xlane v3, v2;
	v4 =	vadd.s32 v1, v4;
	_ =	sdelay $0x1  }
0x193: {  	v3 =	vadd.s32 v1, v3;
	_ =	sdelay $0x2  }
0x194: {  	[tilespmem:s12], [sflag:$0x2] =	stream.indirect_vreg.gather [hbm4b:s2+s3], $0x80, v4, vm0, $0xb8;
	[tilespmem:$0x1B100] =	vst v63  }
0x195: {  	s14 =	simm.s32 $0x9900  }
0x196: {  	[tilespmem:s14], [sflag:$0x2] =	stream.indirect_vreg.gather [hbm4b:s2+s3], $0x80, v3, vm0, $0xb8;
	[tilespmem:$0x1B100] =	vst v63  }
0x197: {  	v3 =	vld [tilespmem:s19+$0xFFFFFF00];
	_ =	sdelay $0x4  }
0x198: {  	v47 =	vshll.u32 v3, $0x1  }
0x199: {  	v3 =	vand.u32 $0x7, v3;
	v4 =	vand.u32 $0xFFFFFFF0, v47  }
0x19a: {  	v3 =	vor.u32 v3, v4  }
0x19b: {  	v4 =	vperm.xlane v3, v0;
	_ =	sdelay $0x1  }
0x19c: {  	v3 =	vperm.xlane v3, v2;
	v4 =	vadd.s32 v1, v4;
	_ =	sdelay $0x1  }
0x19d: {  	v3 =	vadd.s32 v1, v3;
	_ =	sdelay $0x2  }
0x19e: {  	[tilespmem:s26], [sflag:$0x2] =	stream.indirect_vreg.gather [hbm4b:s2+s3], $0x80, v4, vm0, $0xb8;
	[tilespmem:$0x1B100] =	vst v63  }
0x19f: {  	s29 =	simm.s32 $0xA900  }
0x1a0: {  	[tilespmem:s29], [sflag:$0x2] =	stream.indirect_vreg.gather [hbm4b:s2+s3], $0x80, v3, vm0, $0xb8;
	[tilespmem:$0x1B100] =	vst v63  }
0x1a1: {  	v3 =	vld [tilespmem:s19+$0xFFFFFF10];
	_ =	sdelay $0x4  }
0x1a2: {  	v48 =	vshll.u32 v3, $0x1  }
0x1a3: {  	v3 =	vand.u32 $0x7, v3;
	v4 =	vand.u32 $0xFFFFFFF0, v48  }
0x1a4: {  	v3 =	vor.u32 v3, v4  }
0x1a5: {  	v4 =	vperm.xlane v3, v0;
	_ =	sdelay $0x1  }
0x1a6: {  	v3 =	vperm.xlane v3, v2;
	v4 =	vadd.s32 v1, v4;
	_ =	sdelay $0x1  }
0x1a7: {  	v3 =	vadd.s32 v1, v3;
	_ =	sdelay $0x1  }
0x1a8: {  	s29 =	simm.s32 $0xB100  }
0x1a9: {  	[tilespmem:s29], [sflag:$0x2] =	stream.indirect_vreg.gather [hbm4b:s2+s3], $0x80, v4, vm0, $0xb8;
	[tilespmem:$0x1B100] =	vst v63  }
0x1aa: {  	s29 =	simm.s32 $0xB900  }
0x1ab: {  	[tilespmem:s29], [sflag:$0x2] =	stream.indirect_vreg.gather [hbm4b:s2+s3], $0x80, v3, vm0, $0xb8;
	[tilespmem:$0x1B100] =	vst v63  }
0x1ac: {  	_ =	swait.ge [sflag:s16], $0x5000  }
0x1ad: {  	[sflag:s16] =	ssyncset.done $0x0  }
0x1ae: {  	[sflag:s16] =	ssyncadd.s32 $0xFFFFB000  }
0x1af: {  	v3 =	vld [tilespmem:s19+$0xFFFFFF20];
	_ =	sdelay $0x4  }
0x1b0: {  	v49 =	vshll.u32 v3, $0x1  }
0x1b1: {  	v3 =	vand.u32 $0x7, v3;
	v4 =	vand.u32 $0xFFFFFFF0, v49  }
0x1b2: {  	v3 =	vor.u32 v3, v4  }
0x1b3: {  	v4 =	vperm.xlane v3, v0;
	_ =	sdelay $0x1  }
0x1b4: {  	v3 =	vperm.xlane v3, v2;
	v4 =	vadd.s32 v1, v4;
	_ =	sdelay $0x1  }
0x1b5: {  	v3 =	vadd.s32 v1, v3;
	_ =	sdelay $0x2  }
0x1b6: {  	[tilespmem:s31], [sflag:$0x3] =	stream.indirect_vreg.gather [hbm4b:s2+s3], $0x80, v4, vm0, $0xb8;
	[tilespmem:$0x1B100] =	vst v63  }
0x1b7: {  	s31 =	simm.s32 $0xC900  }
0x1b8: {  	[tilespmem:s31], [sflag:$0x3] =	stream.indirect_vreg.gather [hbm4b:s2+s3], $0x80, v3, vm0, $0xb8;
	[tilespmem:$0x1B100] =	vst v63  }
0x1b9: {  	v3 =	vld [tilespmem:s19+$0xFFFFFF30];
	_ =	sdelay $0x4  }
0x1ba: {  	v50 =	vshll.u32 v3, $0x1  }
0x1bb: {  	v3 =	vand.u32 $0x7, v3;
	v4 =	vand.u32 $0xFFFFFFF0, v50  }
0x1bc: {  	v3 =	vor.u32 v3, v4  }
0x1bd: {  	v4 =	vperm.xlane v3, v0;
	_ =	sdelay $0x1  }
0x1be: {  	v3 =	vperm.xlane v3, v2;
	v4 =	vadd.s32 v1, v4;
	_ =	sdelay $0x1  }
0x1bf: {  	v3 =	vadd.s32 v1, v3;
	_ =	sdelay $0x1  }
0x1c0: {  	s31 =	simm.s32 $0xD100  }
0x1c1: {  	[tilespmem:s31], [sflag:$0x3] =	stream.indirect_vreg.gather [hbm4b:s2+s3], $0x80, v4, vm0, $0xb8;
	[tilespmem:$0x1B100] =	vst v63  }
0x1c2: {  	s31 =	simm.s32 $0xD900  }
0x1c3: {  	[tilespmem:s31], [sflag:$0x3] =	stream.indirect_vreg.gather [hbm4b:s2+s3], $0x80, v3, vm0, $0xb8;
	[tilespmem:$0x1B100] =	vst v63  }
0x1c4: {  	v3 =	vld [tilespmem:s19+$0xFFFFFF40];
	_ =	sdelay $0x4  }
0x1c5: {  	v51 =	vshll.u32 v3, $0x1  }
0x1c6: {  	v3 =	vand.u32 $0x7, v3;
	v4 =	vand.u32 $0xFFFFFFF0, v51  }
0x1c7: {  	v3 =	vor.u32 v3, v4  }
0x1c8: {  	v4 =	vperm.xlane v3, v0;
	_ =	sdelay $0x1  }
0x1c9: {  	v3 =	vperm.xlane v3, v2;
	v4 =	vadd.s32 v1, v4;
	_ =	sdelay $0x1  }
0x1ca: {  	v3 =	vadd.s32 v1, v3;
	_ =	sdelay $0x1  }
0x1cb: {  	s31 =	simm.s32 $0xE100  }
0x1cc: {  	[tilespmem:s31], [sflag:$0x3] =	stream.indirect_vreg.gather [hbm4b:s2+s3], $0x80, v4, vm0, $0xb8;
	[tilespmem:$0x1B100] =	vst v63  }
0x1cd: {  	s31 =	simm.s32 $0xE900  }
0x1ce: {  	[tilespmem:s31], [sflag:$0x3] =	stream.indirect_vreg.gather [hbm4b:s2+s3], $0x80, v3, vm0, $0xb8;
	[tilespmem:$0x1B100] =	vst v63  }
0x1cf: {  	v3 =	vld [tilespmem:s19+$0xFFFFFF50];
	_ =	sdelay $0x4  }
0x1d0: {  	v52 =	vshll.u32 v3, $0x1  }
0x1d1: {  	v3 =	vand.u32 $0x7, v3;
	v4 =	vand.u32 $0xFFFFFFF0, v52  }
0x1d2: {  	v3 =	vor.u32 v3, v4  }
0x1d3: {  	v4 =	vperm.xlane v3, v0;
	_ =	sdelay $0x1  }
0x1d4: {  	v3 =	vperm.xlane v3, v2;
	v4 =	vadd.s32 v1, v4;
	_ =	sdelay $0x1  }
0x1d5: {  	v3 =	vadd.s32 v1, v3;
	_ =	sdelay $0x1  }
0x1d6: {  	s31 =	simm.s32 $0xF100  }
0x1d7: {  	[tilespmem:s31], [sflag:$0x3] =	stream.indirect_vreg.gather [hbm4b:s2+s3], $0x80, v4, vm0, $0xb8;
	[tilespmem:$0x1B100] =	vst v63  }
0x1d8: {  	s31 =	simm.s32 $0xF900  }
0x1d9: {  	[tilespmem:s31], [sflag:$0x3] =	stream.indirect_vreg.gather [hbm4b:s2+s3], $0x80, v3, vm0, $0xb8;
	[tilespmem:$0x1B100] =	vst v63  }
0x1da: {  	v3 =	vld [tilespmem:s19+$0xFFFFFF60];
	_ =	sdelay $0x4  }
0x1db: {  	v53 =	vshll.u32 v3, $0x1  }
0x1dc: {  	v3 =	vand.u32 $0x7, v3;
	v4 =	vand.u32 $0xFFFFFFF0, v53  }
0x1dd: {  	v3 =	vor.u32 v3, v4  }
0x1de: {  	v4 =	vperm.xlane v3, v0;
	_ =	sdelay $0x1  }
0x1df: {  	v3 =	vperm.xlane v3, v2;
	v4 =	vadd.s32 v1, v4;
	_ =	sdelay $0x1  }
0x1e0: {  	v3 =	vadd.s32 v1, v3;
	_ =	sdelay $0x1  }
0x1e1: {  	s31 =	simm.s32 $0x10100  }
0x1e2: {  	[tilespmem:s31], [sflag:$0x3] =	stream.indirect_vreg.gather [hbm4b:s2+s3], $0x80, v4, vm0, $0xb8;
	[tilespmem:$0x1B100] =	vst v63  }
0x1e3: {  	s31 =	simm.s32 $0x10900  }
0x1e4: {  	[tilespmem:s31], [sflag:$0x3] =	stream.indirect_vreg.gather [hbm4b:s2+s3], $0x80, v3, vm0, $0xb8;
	[tilespmem:$0x1B100] =	vst v63  }
0x1e5: {  	_ =	swait.ge [sflag:s17], $0x5000  }
0x1e6: {  	[sflag:s17] =	ssyncset.done $0x0  }
0x1e7: {  	[sflag:s17] =	ssyncadd.s32 $0xFFFFB000  }
0x1e8: {  	v3 =	vld [tilespmem:s19+$0xFFFFFF70];
	_ =	sdelay $0x4  }
0x1e9: {  	v54 =	vshll.u32 v3, $0x1  }
0x1ea: {  	v3 =	vand.u32 $0x7, v3;
	v4 =	vand.u32 $0xFFFFFFF0, v54  }
0x1eb: {  	v3 =	vor.u32 v3, v4  }
0x1ec: {  	v4 =	vperm.xlane v3, v0;
	_ =	sdelay $0x1  }
0x1ed: {  	v3 =	vperm.xlane v3, v2;
	v4 =	vadd.s32 v1, v4;
	_ =	sdelay $0x1  }
0x1ee: {  	v3 =	vadd.s32 v1, v3;
	_ =	sdelay $0x2  }
0x1ef: {  	[tilespmem:s1], [sflag:$0x4] =	stream.indirect_vreg.gather [hbm4b:s2+s3], $0x80, v4, vm0, $0xb8;
	[tilespmem:$0x1B100] =	vst v63  }
0x1f0: {  	s1 =	simm.s32 $0x11900  }
0x1f1: {  	[tilespmem:s1], [sflag:$0x4] =	stream.indirect_vreg.gather [hbm4b:s2+s3], $0x80, v3, vm0, $0xb8;
	[tilespmem:$0x1B100] =	vst v63  }
0x1f2: {  	v3 =	vld [tilespmem:s19+$0xFFFFFF80];
	_ =	sdelay $0x4  }
0x1f3: {  	v55 =	vshll.u32 v3, $0x1  }
0x1f4: {  	v3 =	vand.u32 $0x7, v3;
	v4 =	vand.u32 $0xFFFFFFF0, v55  }
0x1f5: {  	v3 =	vor.u32 v3, v4  }
0x1f6: {  	v4 =	vperm.xlane v3, v0;
	_ =	sdelay $0x1  }
0x1f7: {  	v3 =	vperm.xlane v3, v2;
	v4 =	vadd.s32 v1, v4;
	_ =	sdelay $0x1  }
0x1f8: {  	v3 =	vadd.s32 v1, v3;
	_ =	sdelay $0x1  }
0x1f9: {  	s1 =	simm.s32 $0x12100  }
0x1fa: {  	[tilespmem:s1], [sflag:$0x4] =	stream.indirect_vreg.gather [hbm4b:s2+s3], $0x80, v4, vm0, $0xb8;
	[tilespmem:$0x1B100] =	vst v63  }
0x1fb: {  	s1 =	simm.s32 $0x12900  }
0x1fc: {  	[tilespmem:s1], [sflag:$0x4] =	stream.indirect_vreg.gather [hbm4b:s2+s3], $0x80, v3, vm0, $0xb8;
	[tilespmem:$0x1B100] =	vst v63  }
0x1fd: {  	v3 =	vld [tilespmem:s19+$0xFFFFFF90];
	_ =	sdelay $0x4  }
0x1fe: {  	v56 =	vshll.u32 v3, $0x1  }
0x1ff: {  	v3 =	vand.u32 $0x7, v3;
	v4 =	vand.u32 $0xFFFFFFF0, v56  }
0x200: {  	v3 =	vor.u32 v3, v4  }
0x201: {  	v4 =	vperm.xlane v3, v0;
	_ =	sdelay $0x1  }
0x202: {  	v3 =	vperm.xlane v3, v2;
	v4 =	vadd.s32 v1, v4;
	_ =	sdelay $0x1  }
0x203: {  	v3 =	vadd.s32 v1, v3;
	_ =	sdelay $0x1  }
0x204: {  	s1 =	simm.s32 $0x13100  }
0x205: {  	[tilespmem:s1], [sflag:$0x4] =	stream.indirect_vreg.gather [hbm4b:s2+s3], $0x80, v4, vm0, $0xb8;
	[tilespmem:$0x1B100] =	vst v63  }
0x206: {  	s1 =	simm.s32 $0x13900  }
0x207: {  	[tilespmem:s1], [sflag:$0x4] =	stream.indirect_vreg.gather [hbm4b:s2+s3], $0x80, v3, vm0, $0xb8;
	[tilespmem:$0x1B100] =	vst v63  }
0x208: {  	v3 =	vld [tilespmem:s19+$0xFFFFFFA0];
	_ =	sdelay $0x4  }
0x209: {  	v57 =	vshll.u32 v3, $0x1  }
0x20a: {  	v3 =	vand.u32 $0x7, v3;
	v4 =	vand.u32 $0xFFFFFFF0, v57  }
0x20b: {  	v3 =	vor.u32 v3, v4  }
0x20c: {  	v4 =	vperm.xlane v3, v0;
	_ =	sdelay $0x1  }
0x20d: {  	v3 =	vperm.xlane v3, v2;
	v4 =	vadd.s32 v1, v4;
	_ =	sdelay $0x1  }
0x20e: {  	v3 =	vadd.s32 v1, v3;
	_ =	sdelay $0x1  }
0x20f: {  	s1 =	simm.s32 $0x14100  }
0x210: {  	[tilespmem:s1], [sflag:$0x4] =	stream.indirect_vreg.gather [hbm4b:s2+s3], $0x80, v4, vm0, $0xb8;
	[tilespmem:$0x1B100] =	vst v63  }
0x211: {  	s1 =	simm.s32 $0x14900  }
0x212: {  	[tilespmem:s1], [sflag:$0x4] =	stream.indirect_vreg.gather [hbm4b:s2+s3], $0x80, v3, vm0, $0xb8;
	[tilespmem:$0x1B100] =	vst v63  }
0x213: {  	v3 =	vld [tilespmem:s19+$0xFFFFFFB0];
	_ =	sdelay $0x4  }
0x214: {  	v58 =	vshll.u32 v3, $0x1  }
0x215: {  	v3 =	vand.u32 $0x7, v3;
	v4 =	vand.u32 $0xFFFFFFF0, v58  }
0x216: {  	v3 =	vor.u32 v3, v4  }
0x217: {  	v4 =	vperm.xlane v3, v0;
	_ =	sdelay $0x1  }
0x218: {  	v3 =	vperm.xlane v3, v2;
	v4 =	vadd.s32 v1, v4;
	_ =	sdelay $0x1  }
0x219: {  	v3 =	vadd.s32 v1, v3;
	_ =	sdelay $0x1  }
0x21a: {  	s1 =	simm.s32 $0x15100  }
0x21b: {  	[tilespmem:s1], [sflag:$0x4] =	stream.indirect_vreg.gather [hbm4b:s2+s3], $0x80, v4, vm0, $0xb8;
	[tilespmem:$0x1B100] =	vst v63  }
0x21c: {  	s1 =	simm.s32 $0x15900  }
0x21d: {  	[tilespmem:s1], [sflag:$0x4] =	stream.indirect_vreg.gather [hbm4b:s2+s3], $0x80, v3, vm0, $0xb8;
	[tilespmem:$0x1B100] =	vst v63  }
0x21e: {  	_ =	swait.ge [sflag:s18], $0x5000  }
0x21f: {  	[sflag:s18] =	ssyncset.done $0x0  }
0x220: {  	[sflag:s18] =	ssyncadd.s32 $0xFFFFB000  }
0x221: {  	v3 =	vld [tilespmem:s19+$0xFFFFFFC0];
	_ =	sdelay $0x4  }
0x222: {  	v59 =	vshll.u32 v3, $0x1  }
0x223: {  	v3 =	vand.u32 $0x7, v3;
	v4 =	vand.u32 $0xFFFFFFF0, v59  }
0x224: {  	v3 =	vor.u32 v3, v4  }
0x225: {  	v4 =	vperm.xlane v3, v0;
	_ =	sdelay $0x1  }
0x226: {  	v3 =	vperm.xlane v3, v2;
	v4 =	vadd.s32 v1, v4;
	_ =	sdelay $0x1  }
0x227: {  	v3 =	vadd.s32 v1, v3;
	_ =	sdelay $0x2  }
0x228: {  	[tilespmem:s25], [sflag:$0x5] =	stream.indirect_vreg.gather [hbm4b:s2+s3], $0x80, v4, vm0, $0xb8;
	[tilespmem:$0x1B100] =	vst v63  }
0x229: {  	s1 =	simm.s32 $0x16900  }
0x22a: {  	[tilespmem:s1], [sflag:$0x5] =	stream.indirect_vreg.gather [hbm4b:s2+s3], $0x80, v3, vm0, $0xb8;
	[tilespmem:$0x1B100] =	vst v63  }
0x22b: {  	v3 =	vld [tilespmem:s19+$0xFFFFFFD0];
	_ =	sdelay $0x4  }
0x22c: {  	v60 =	vshll.u32 v3, $0x1  }
0x22d: {  	v3 =	vand.u32 $0x7, v3;
	v4 =	vand.u32 $0xFFFFFFF0, v60  }
0x22e: {  	v3 =	vor.u32 v3, v4  }
0x22f: {  	v4 =	vperm.xlane v3, v0;
	_ =	sdelay $0x1  }
0x230: {  	v3 =	vperm.xlane v3, v2;
	v4 =	vadd.s32 v1, v4;
	_ =	sdelay $0x1  }
0x231: {  	v3 =	vadd.s32 v1, v3;
	_ =	sdelay $0x1  }
0x232: {  	s1 =	simm.s32 $0x17100  }
0x233: {  	[tilespmem:s1], [sflag:$0x5] =	stream.indirect_vreg.gather [hbm4b:s2+s3], $0x80, v4, vm0, $0xb8;
	[tilespmem:$0x1B100] =	vst v63  }
0x234: {  	s1 =	simm.s32 $0x17900  }
0x235: {  	[tilespmem:s1], [sflag:$0x5] =	stream.indirect_vreg.gather [hbm4b:s2+s3], $0x80, v3, vm0, $0xb8;
	[tilespmem:$0x1B100] =	vst v63  }
0x236: {  	v3 =	vld [tilespmem:s19+$0xFFFFFFE0];
	_ =	sdelay $0x4  }
0x237: {  	v61 =	vshll.u32 v3, $0x1  }
0x238: {  	v3 =	vand.u32 $0x7, v3;
	v4 =	vand.u32 $0xFFFFFFF0, v61  }
0x239: {  	v3 =	vor.u32 v3, v4  }
0x23a: {  	v4 =	vperm.xlane v3, v0;
	_ =	sdelay $0x1  }
0x23b: {  	v3 =	vperm.xlane v3, v2;
	v4 =	vadd.s32 v1, v4;
	_ =	sdelay $0x1  }
0x23c: {  	v3 =	vadd.s32 v1, v3;
	_ =	sdelay $0x1  }
0x23d: {  	s1 =	simm.s32 $0x18100  }
0x23e: {  	[tilespmem:s1], [sflag:$0x5] =	stream.indirect_vreg.gather [hbm4b:s2+s3], $0x80, v4, vm0, $0xb8;
	[tilespmem:$0x1B100] =	vst v63  }
0x23f: {  	s1 =	simm.s32 $0x18900  }
0x240: {  	[tilespmem:s1], [sflag:$0x5] =	stream.indirect_vreg.gather [hbm4b:s2+s3], $0x80, v3, vm0, $0xb8;
	[tilespmem:$0x1B100] =	vst v63  }
0x241: {  	v3 =	vld [tilespmem:s19+$0xFFFFFFF0];
	_ =	sdelay $0x4  }
0x242: {  	v62 =	vshll.u32 v3, $0x1  }
0x243: {  	v3 =	vand.u32 $0x7, v3;
	v4 =	vand.u32 $0xFFFFFFF0, v62  }
0x244: {  	v3 =	vor.u32 v3, v4  }
0x245: {  	v4 =	vperm.xlane v3, v0;
	_ =	sdelay $0x1  }
0x246: {  	v3 =	vperm.xlane v3, v2;
	v4 =	vadd.s32 v1, v4;
	_ =	sdelay $0x1  }
0x247: {  	v3 =	vadd.s32 v1, v3;
	_ =	sdelay $0x1  }
0x248: {  	s1 =	simm.s32 $0x19100  }
0x249: {  	[tilespmem:s1], [sflag:$0x5] =	stream.indirect_vreg.gather [hbm4b:s2+s3], $0x80, v4, vm0, $0xb8;
	[tilespmem:$0x1B100] =	vst v63  }
0x24a: {  	s1 =	simm.s32 $0x19900  }
0x24b: {  	[tilespmem:s1], [sflag:$0x5] =	stream.indirect_vreg.gather [hbm4b:s2+s3], $0x80, v3, vm0, $0xb8;
	[tilespmem:$0x1B100] =	vst v63  }
0x24c: {  	v3 =	vld [tilespmem:s19+$0x0];
	_ =	sdelay $0x4  }
0x24d: {  	v63 =	vshll.u32 v3, $0x1  }
0x24e: {  	v3 =	vand.u32 $0x7, v3;
	v4 =	vand.u32 $0xFFFFFFF0, v63  }
0x24f: {  	v3 =	vor.u32 v3, v4  }
0x250: {  	v4 =	vperm.xlane v3, v0;
	_ =	sdelay $0x1  }
0x251: {  	v3 =	vperm.xlane v3, v2;
	v4 =	vadd.s32 v1, v4;
	_ =	sdelay $0x1  }
0x252: {  	p0 =	sne.s32 s20, $0x3B600;
	v3 =	vadd.s32 v1, v3  }
.Ltmp0:
0x253: {  	_ = 	snop;
	(pc) =	sbr.rel @p0 .LBB2_2-.Ltmp0, $4  }
0x254: {  	s20 =	sadd.s32 $0x3200, s20;
	s22 =	simm.s32 $0x2100;
	s0 =	simm.s32 $0x7100  }
0x255: {  	[tilespmem:s24], [sflag:$0x5] =	stream.indirect_vreg.gather [hbm4b:s2+s3], $0x80, v4, vm0, $0xb8;
	[tilespmem:$0x1B100] =	vst v63  }
0x256: {  	s29 =	simm.s32 $0xC100;
	s31 =	simm.s32 $0x11100;
	s19 =	sadd.s32 $0x190, s19  }
0x257: {  	[tilespmem:s28], [sflag:$0x5] =	stream.indirect_vreg.gather [hbm4b:s2+s3], $0x80, v3, vm0, $0xb8;
	[tilespmem:$0x1B100] =	vst v63  }
0x258: {  	_ =	swait.ge [sflag:s7], $0x5000  }
0x259: {  	[sflag:s7] =	ssyncset.done $0x0  }
0x25a: {  	s19 =	rddreg [dreg:$0x6];
	[sflag:s7] =	ssyncadd.s32 $0xFFFFB000  }
0x25b: {  	[hbm4b:s19+s3] =	stream.linear.scatter [tilespmem:s22], [sflag:$0x6], $0x5000, $0x38;
	[tilespmem:$0x1B100] =	vst v63  }
0x25c: {  	_ =	swait.ge [sflag:s8], $0x5000  }
0x25d: {  	[sflag:s8] =	ssyncset.done $0x0  }
0x25e: {  	s6 =	rddreg [dreg:$0x7];
	[sflag:s8] =	ssyncadd.s32 $0xFFFFB000  }
0x25f: {  	[hbm4b:s6+s3] =	stream.linear.scatter [tilespmem:s0], [sflag:$0x7], $0x5000, $0x38;
	[tilespmem:$0x1B100] =	vst v63  }
0x260: {  	_ =	swait.ge [sflag:s9], $0x5000  }
0x261: {  	[sflag:s9] =	ssyncset.done $0x0  }
0x262: {  	s12 =	rddreg [dreg:$0x8];
	[sflag:s9] =	ssyncadd.s32 $0xFFFFB000  }
0x263: {  	[hbm4b:s12+s3] =	stream.linear.scatter [tilespmem:s29], [sflag:$0x8], $0x5000, $0x38;
	[tilespmem:$0x1B100] =	vst v63  }
0x264: {  	_ =	swait.ge [sflag:s10], $0x5000  }
0x265: {  	[sflag:s10] =	ssyncset.done $0x0  }
0x266: {  	s20 =	rddreg [dreg:$0x9];
	[sflag:s10] =	ssyncadd.s32 $0xFFFFB000  }
0x267: {  	[hbm4b:s20+s3] =	stream.linear.scatter [tilespmem:s31], [sflag:$0x9], $0x5000, $0x38;
	[tilespmem:$0x1B100] =	vst v63  }
0x268: {  	_ =	swait.ge [sflag:s11], $0x5000  }
0x269: {  	[sflag:s11] =	ssyncset.done $0x0  }
0x26a: {  	s24 =	rddreg [dreg:$0xa];
	[sflag:s11] =	ssyncadd.s32 $0xFFFFB000  }
0x26b: {  	[hbm4b:s24+s3] =	stream.linear.scatter [tilespmem:s25], [sflag:$0xA], $0x5000, $0x38;
	[tilespmem:$0x1B100] =	vst v63  }
0x26c: {  	_ =	swait.ge [sflag:s13], $0x5000  }
0x26d: {  	[sflag:s13] =	ssyncset.done $0x0  }
0x26e: {  	[sflag:s13] =	ssyncadd.s32 $0xFFFFB000  }
0x26f: {  	_ =	swait.ge [sflag:s15], $0x5000  }
0x270: {  	[sflag:s15] =	ssyncset.done $0x0  }
0x271: {  	[sflag:s15] =	ssyncadd.s32 $0xFFFFB000  }
0x272: {  	_ =	swait.ge [sflag:s16], $0x5000  }
0x273: {  	[sflag:s16] =	ssyncset.done $0x0  }
0x274: {  	[sflag:s16] =	ssyncadd.s32 $0xFFFFB000  }
0x275: {  	_ =	swait.ge [sflag:s17], $0x5000  }
0x276: {  	[sflag:s17] =	ssyncset.done $0x0  }
0x277: {  	[sflag:s17] =	ssyncadd.s32 $0xFFFFB000  }
0x278: {  	_ =	swait.ge [sflag:s18], $0x5000  }
0x279: {  	s1 =	rddreg [dreg:$0xc]  }
0x27a: {  	s26 =	rddreg [dreg:$0xb];
	s1 =	sadd.s32 $0x1, s1  }
0x27b: {  	p0 =	sne.s32 s1, s26  }
.Ltmp1:
0x27c: {  	s28 =	simm.s32 $0x5100;
	(pc) =	sbr.rel @p0 .LBB2_1-.Ltmp1, $4  }
0x27d: {  	s30 =	simm.s32 $0x6100;
	s4 =	simm.s32 $0x7900;
	s5 =	simm.s32 $0x8100  }
0x27e: {  	s6 =	simm.s32 $0x8900;
	s12 =	simm.s32 $0x5900;
	[sflag:s18] =	ssyncset.done $0x0  }
0x27f: {  	s20 =	simm.s32 $0x3900;
	s24 =	simm.s32 $0x4100;
	[sflag:s18] =	ssyncadd.s32 $0xFFFFB000  }
0x280: {  	[dreg:$0xc] =	wrdreg s1;
	s26 =	simm.s32 $0x4900;
	s1 =	simm.s32 $0x6900  }
0x281: {  	_ =	sfence.sel $0x180000  }
0x282: {  	[bflag:$0x0] =	sbarrier.arrive $0xFFFF  }
0x283: {  	_ =	strace $0x90000047  }
0x284: {  	s0 =	stileid.u32;
	[bflag:$0x2] =	sbarrier.arrive $0xFFFF  }
0x285: {  	p0 =	sne.s32 s0, $0x0;
	s0 =	rddreg [dreg:$0x3]  }
0x286: {  	s0 =	sadd.s32 @!p0 $0x100000, s0  }
0x287: {  	[sflag:s0] =	ssyncadd.tile.s32 @!p0 $0x1;
	_ =	shalt  }
.Lfunc_end2:
_tile_overlayer_lowered:
.L_overlay_start_2:
0x288: {  	(tag) =	ssettag $0x2  }
0x289: {  	s0 =	rddreg [dreg:$0x0];
	s2 =	stileid.u32  }
0x28a: {  	s1 =	rddreg [dreg:$0x1];
	p0 =	sne.s32 s2, $0x0  }
0x28b: {  	s3 =	rddreg [dreg:$0x2];
	[bflag:$0x3] =	sbarrier.arrive $0xFFFF;
	s2 =	simm.s32 @!p0 $0x1C0B  }
0x28c: {  	[timem:s3], [sflag:s2] =	dma.local @!p0 [hbm:s0], s1  }
0x28d: {  	s0 =	simm.s32 @!p0 $0xB  }
0x28e: {  	_ =	swait.ge @!p0 [sflag:s0], s1  }
0x28f: {  	s1 =	ssub.s32 @!p0 $0x0, s1;
	[sflag:s0] =	ssyncset.done @!p0 $0x0  }
0x290: {  	[sflag:s0] =	ssyncadd.s32 @!p0 s1  }
0x291: {  	[bflag:$0x3] =	sbarrier.arrive $0xFFFF  }
0x292: {  	_ =	shalt  }

</sc_bundles>
